<compile_context>
chip_gen: v7x
topology: tpu7x:2x2x1
jax: 0.10.2.dev20260603
libtpu: 0.0.44.dev20260713+nightly
codegen_flags: <defaults>
</compile_context>

<pallas_src>
import functools

import jax
import jax.numpy as jnp
from jax import lax
from jax.experimental import pallas as pl
from jax.experimental.pallas import tpu as pltpu
from jax.experimental.pallas import tpu_sc as plsc

_B, _S, _H = 4, 4096, 1024
_N = _B * _S
_NC, _NS = 2, 16
_NW = _NC * _NS
_PER_W = _N // _NW
_WPB = _S // _PER_W
_C = 8
_STEPS = _PER_W // _C
_NB = 4
_L = 16

_mesh = plsc.VectorSubcoreMesh(core_axis_name="c", subcore_axis_name="s")

_scratch = (
    [pltpu.VMEM((_PER_W,), jnp.int32)]
    + [pltpu.VMEM((_C, _H), jnp.float32) for _ in range(3 * _NB)]
    + [pltpu.SemaphoreType.DMA for _ in range(3 * _NB)]
)


@functools.partial(
    pl.kernel,
    mesh=_mesh,
    out_type=jax.ShapeDtypeStruct((_B, _S, _H), jnp.float32),
    scratch_types=_scratch,
)
def _embed_add(emb_hbm, idx_hbm, table_hbm, out_hbm, idx_v, *bufs_and_sems):
    emb_b = bufs_and_sems[0:_NB]
    row_b = bufs_and_sems[_NB:2 * _NB]
    sum_b = bufs_and_sems[2 * _NB:3 * _NB]
    sem_e = bufs_and_sems[3 * _NB:4 * _NB]
    sem_r = bufs_and_sems[4 * _NB:5 * _NB]
    sem_w = bufs_and_sems[5 * _NB:6 * _NB]

    wid = lax.axis_index("s") * _NC + lax.axis_index("c")
    b = wid // _WPB
    s0 = (wid % _WPB) * _PER_W
    pltpu.sync_copy(idx_hbm.at[b, pl.ds(s0, _PER_W)], idx_v)

    def issue_loads(j, p):
        s_off = s0 + j * _C
        pltpu.async_copy(table_hbm.at[idx_v.at[pl.ds(j * _C, _C)]], row_b[p], sem_r[p])
        pltpu.async_copy(emb_hbm.at[b, pl.ds(s_off, _C)], emb_b[p], sem_e[p])

    def process(j, p):
        s_off = s0 + j * _C
        pltpu.make_async_copy(emb_hbm.at[b, pl.ds(s_off, _C)], row_b[p], sem_r[p]).wait()
        pltpu.make_async_copy(emb_hbm.at[b, pl.ds(s_off, _C)], emb_b[p], sem_e[p]).wait()

        @pl.when(j >= _NB)
        def _():
            pltpu.make_async_copy(sum_b[p], out_hbm.at[b, pl.ds(s_off, _C)], sem_w[p]).wait()

        @plsc.parallel_loop(0, _C * (_H // _L), 1, unroll=8)
        def _add16(i):
            r = i // (_H // _L)
            sl = pl.ds((i % (_H // _L)) * _L, _L)
            sum_b[p][r, sl] = emb_b[p][r, sl] + row_b[p][r, sl]

        pltpu.async_copy(sum_b[p], out_hbm.at[b, pl.ds(s_off, _C)], sem_w[p])

        @pl.when(j + _NB < _STEPS)
        def _():
            issue_loads(j + _NB, p)

    for p in range(_NB):
        issue_loads(p, p)

    def body(i, c):
        for p in range(_NB):
            process(i * _NB + p, p)
        return c

    lax.fori_loop(0, _STEPS // _NB, body, 0)

    for p in range(_NB):
        pltpu.make_async_copy(sum_b[p], out_hbm.at[b, pl.ds(s0, _C)], sem_w[p]).wait()


def kernel(embeddings, position_ids, table):
    idx = position_ids.astype(jnp.int32)
    return _embed_add(embeddings, idx, table)

# --- scband reference (transcript-rebuilt; emitter-appended) ---
"""Pipeline reference for scband-learned-positional-embedding-2293512536569 (READ-ONLY COPY).

The authoritative reference and input builder live on the scoring server;
editing this copy changes nothing except your own understanding.
"""

import jax, jax.numpy as jnp
import numpy as np

B, S, H = 4, 4096, 1024
MAX_POS = 8192

def setup_inputs(seed: int = 0) -> dict:
    key = jax.random.key(seed)
    k1, k2, k3 = jax.random.split(key, 3)
    embeddings = jax.random.normal(k1, (B, S, H), dtype=jnp.float32)
    position_ids = jax.random.randint(k2, (B, S), 0, MAX_POS, dtype=jnp.int64)
    # learned positional embedding table, init normal(0, 0.02)
    table = 0.02 * jax.random.normal(k3, (MAX_POS, H), dtype=jnp.float32)
    return {"embeddings": embeddings, "position_ids": position_ids, "table": table}

def reference(embeddings, position_ids, table):
    # position embedding lookup (gather)
    position_embeddings = jnp.take(table, position_ids, axis=0)  # [B, S, H]
    # dropout in eval mode -> identity
    return embeddings + position_embeddings

if __name__ == "__main__":
    import jax
    _d = setup_inputs()
    print(jax.jit(kernel)(*tuple(_d.values())))

</pallas_src>

<mosaic_0001>
#map = affine_map<(d0, d1) -> (0, 0, 0)>
#map1 = affine_map<(d0, d1) -> (0, 0)>
module attributes {stable_mosaic.version = 14 : i64} {
  func.func @_embed_add(%arg0: i32, %arg1: i32, %arg2: memref<4x4096x1024xf32, #tpu.memory_space<hbm>>, %arg3: memref<4x4096xi32, #tpu.memory_space<hbm>>, %arg4: memref<8192x1024xf32, #tpu.memory_space<hbm>>, %arg5: memref<4x4096x1024xf32, #tpu.memory_space<hbm>>, %arg6: memref<512xi32, #tpu.memory_space<vmem>>, %arg7: memref<8x1024xf32, #tpu.memory_space<vmem>>, %arg8: memref<8x1024xf32, #tpu.memory_space<vmem>>, %arg9: memref<8x1024xf32, #tpu.memory_space<vmem>>, %arg10: memref<8x1024xf32, #tpu.memory_space<vmem>>, %arg11: memref<8x1024xf32, #tpu.memory_space<vmem>>, %arg12: memref<8x1024xf32, #tpu.memory_space<vmem>>, %arg13: memref<8x1024xf32, #tpu.memory_space<vmem>>, %arg14: memref<8x1024xf32, #tpu.memory_space<vmem>>, %arg15: memref<8x1024xf32, #tpu.memory_space<vmem>>, %arg16: memref<8x1024xf32, #tpu.memory_space<vmem>>, %arg17: memref<8x1024xf32, #tpu.memory_space<vmem>>, %arg18: memref<8x1024xf32, #tpu.memory_space<vmem>>, %arg19: memref<!tpu.dma_semaphore, #tpu.memory_space<semaphore_mem>>, %arg20: memref<!tpu.dma_semaphore, #tpu.memory_space<semaphore_mem>>, %arg21: memref<!tpu.dma_semaphore, #tpu.memory_space<semaphore_mem>>, %arg22: memref<!tpu.dma_semaphore, #tpu.memory_space<semaphore_mem>>, %arg23: memref<!tpu.dma_semaphore, #tpu.memory_space<semaphore_mem>>, %arg24: memref<!tpu.dma_semaphore, #tpu.memory_space<semaphore_mem>>, %arg25: memref<!tpu.dma_semaphore, #tpu.memory_space<semaphore_mem>>, %arg26: memref<!tpu.dma_semaphore, #tpu.memory_space<semaphore_mem>>, %arg27: memref<!tpu.dma_semaphore, #tpu.memory_space<semaphore_mem>>, %arg28: memref<!tpu.dma_semaphore, #tpu.memory_space<semaphore_mem>>, %arg29: memref<!tpu.dma_semaphore, #tpu.memory_space<semaphore_mem>>, %arg30: memref<!tpu.dma_semaphore, #tpu.memory_space<semaphore_mem>>) attributes {dimension_semantics = [#tpu.dimension_semantics<core_parallel>, #tpu.dimension_semantics<subcore_parallel>], iteration_bounds = array<i64: 2, 16>, scalar_prefetch = 0 : i64, scratch_operands = 25 : i64, tpu.core_type = #tpu.core_type<sc_vector_subcore>, window_params = [{transform_indices = #map}, {transform_indices = #map1}, {transform_indices = #map1}, {transform_indices = #map}]} {
    %mul3A = arith.constant 2 : i32
    %mul3A_0 = arith.muli %arg1, %mul3A : i32
    %add3A = arith.addi %mul3A_0, %arg0 : i32
    %jit3A = arith.constant 8 : i32
    %div3A = arith.divsi %add3A, %jit3A : i32
    %sign3A = arith.constant 0 : i32
    %sign3A_1 = arith.cmpi sgt, %add3A, %sign3A : i32
    %sign3A_2 = arith.extui %sign3A_1 : i1 to i32
    %sign3A_3 = arith.constant 0 : i32
    %sign3A_4 = arith.cmpi slt, %add3A, %sign3A_3 : i32
    %sign3A_5 = arith.extui %sign3A_4 : i1 to i32
    %sign3A_6 = arith.subi %sign3A_2, %sign3A_5 : i32
    %sign3A_7 = arith.constant 0 : i32
    %sign3A_8 = arith.cmpi sgt, %jit3A, %sign3A_7 : i32
    %sign3A_9 = arith.extui %sign3A_8 : i1 to i32
    %sign3A_10 = arith.constant 0 : i32
    %sign3A_11 = arith.cmpi slt, %jit3A, %sign3A_10 : i32
    %sign3A_12 = arith.extui %sign3A_11 : i1 to i32
    %sign3A_13 = arith.subi %sign3A_9, %sign3A_12 : i32
    %ne3A = arith.cmpi ne, %sign3A_6, %sign3A_13 : i32
    %rem3A = arith.remsi %add3A, %jit3A : i32
    %ne3A_14 = arith.constant 0 : i32
    %ne3A_15 = arith.cmpi ne, %rem3A, %ne3A_14 : i32
    %and3A = arith.andi %ne3A, %ne3A_15 : i1
    %sub3A = arith.constant 1 : i32
    %sub3A_16 = arith.subi %div3A, %sub3A : i32
    %select_n3A = arith.select %and3A, %sub3A_16, %div3A : i32
    %jit3A_17 = arith.constant 8 : i32
    %eq3A = arith.constant 0 : i32
    %eq3A_18 = arith.cmpi eq, %jit3A_17, %eq3A : i32
    %jit3A_19 = arith.constant 1 : i32
    %select_n3A_20 = arith.select %eq3A_18, %jit3A_19, %jit3A_17 : i32
    %rem3A_21 = arith.remsi %add3A, %select_n3A_20 : i32
    %ne3A_22 = arith.constant 0 : i32
    %ne3A_23 = arith.cmpi ne, %rem3A_21, %ne3A_22 : i32
    %lt3A = arith.constant 0 : i32
    %lt3A_24 = arith.cmpi slt, %rem3A_21, %lt3A : i32
    %lt3A_25 = arith.constant 0 : i32
    %lt3A_26 = arith.cmpi slt, %select_n3A_20, %lt3A_25 : i32
    %ne3A_27 = arith.xori %lt3A_24, %lt3A_26 : i1
    %and3A_28 = arith.andi %ne3A_27, %ne3A_23 : i1
    %add3A_29 = arith.addi %rem3A_21, %select_n3A_20 : i32
    %select_n3A_30 = arith.select %and3A_28, %add3A_29, %rem3A_21 : i32
    %mul3A_31 = arith.constant 512 : i32
    %mul3A_32 = arith.muli %select_n3A_30, %mul3A_31 : i32
    "tpu.region"() ({
      %run_scoped3A = tpu.sem_alloc : memref<!tpu.dma_semaphore, #tpu.memory_space<semaphore_mem>>
      %dma_start3A_112 = tpu.memref_slice %arg3[%select_n3A, %mul3A_32] : memref<4x4096xi32, #tpu.memory_space<hbm>> -> memref<1x512xi32, #tpu.memory_space<hbm>>
      %dma_start3A_113 = tpu.memref_squeeze %dma_start3A_112 : memref<1x512xi32, #tpu.memory_space<hbm>> -> memref<512xi32, #tpu.memory_space<hbm>>
      %dma_start3A_114 = tpu.memref_slice %arg3[%select_n3A, %mul3A_32] : memref<4x4096xi32, #tpu.memory_space<hbm>> -> memref<1x512xi32, #tpu.memory_space<hbm>>
      %dma_start3A_115 = tpu.memref_squeeze %dma_start3A_114 : memref<1x512xi32, #tpu.memory_space<hbm>> -> memref<512xi32, #tpu.memory_space<hbm>>
      tpu.enqueue_dma source(%dma_start3A_115 : memref<512xi32, #tpu.memory_space<hbm>>) target(%arg6 : memref<512xi32, #tpu.memory_space<vmem>>) target_semaphore(%run_scoped3A : memref<!tpu.dma_semaphore, #tpu.memory_space<semaphore_mem>>)
      %dma_wait3A_116 = tpu.memref_slice %arg3[%select_n3A, %mul3A_32] : memref<4x4096xi32, #tpu.memory_space<hbm>> -> memref<1x512xi32, #tpu.memory_space<hbm>>
      %dma_wait3A_117 = tpu.memref_squeeze %dma_wait3A_116 : memref<1x512xi32, #tpu.memory_space<hbm>> -> memref<512xi32, #tpu.memory_space<hbm>>
      %dma_wait3A_118 = tpu.memref_slice %arg3[%select_n3A, %mul3A_32] : memref<4x4096xi32, #tpu.memory_space<hbm>> -> memref<1x512xi32, #tpu.memory_space<hbm>>
      %dma_wait3A_119 = tpu.memref_squeeze %dma_wait3A_118 : memref<1x512xi32, #tpu.memory_space<hbm>> -> memref<512xi32, #tpu.memory_space<hbm>>
      tpu.wait_dma2 semaphore(%run_scoped3A : memref<!tpu.dma_semaphore, #tpu.memory_space<semaphore_mem>>) src(%dma_wait3A_119 : memref<512xi32, #tpu.memory_space<hbm>>) dst(%arg6 : memref<512xi32, #tpu.memory_space<vmem>>)
      tpu.yield
    }) : () -> ()
    %add3A_33 = arith.constant 0 : i32
    %add3A_34 = arith.addi %mul3A_32, %add3A_33 : i32
    %dma_start3A = arith.constant 0 : i32
    %dma_start3A_35 = tpu.memref_slice %arg6[%dma_start3A] : memref<512xi32, #tpu.memory_space<vmem>> -> memref<8xi32, #tpu.memory_space<vmem>>
    %dma_start3A_36 = arith.constant 0 : i32
    %dma_start3A_37 = arith.constant 0 : i32
    %dma_start3A_38 = tpu.memref_slice %arg4[%dma_start3A_36, %dma_start3A_37] : memref<8192x1024xf32, #tpu.memory_space<hbm>> -> memref<8192x1024xf32, #tpu.memory_space<hbm>>
    tpu.enqueue_indirect_dma source(%dma_start3A_38 : memref<8192x1024xf32, #tpu.memory_space<hbm>>) target(%arg11 : memref<8x1024xf32, #tpu.memory_space<vmem>>) offsets(%dma_start3A_35 : memref<8xi32, #tpu.memory_space<vmem>>) semaphore(%arg23 : memref<!tpu.dma_semaphore, #tpu.memory_space<semaphore_mem>>)
    %dma_start3A_39 = arith.constant 0 : i32
    %dma_start3A_40 = tpu.memref_slice %arg2[%select_n3A, %add3A_34, %dma_start3A_39] : memref<4x4096x1024xf32, #tpu.memory_space<hbm>> -> memref<1x8x1024xf32, #tpu.memory_space<hbm>>
    %dma_start3A_41 = tpu.memref_squeeze %dma_start3A_40 : memref<1x8x1024xf32, #tpu.memory_space<hbm>> -> memref<8x1024xf32, #tpu.memory_space<hbm>>
    %dma_start3A_42 = arith.constant 0 : i32
    %dma_start3A_43 = tpu.memref_slice %arg2[%select_n3A, %add3A_34, %dma_start3A_42] : memref<4x4096x1024xf32, #tpu.memory_space<hbm>> -> memref<1x8x1024xf32, #tpu.memory_space<hbm>>
    %dma_start3A_44 = tpu.memref_squeeze %dma_start3A_43 : memref<1x8x1024xf32, #tpu.memory_space<hbm>> -> memref<8x1024xf32, #tpu.memory_space<hbm>>
    tpu.enqueue_dma source(%dma_start3A_44 : memref<8x1024xf32, #tpu.memory_space<hbm>>) target(%arg7 : memref<8x1024xf32, #tpu.memory_space<vmem>>) target_semaphore(%arg19 : memref<!tpu.dma_semaphore, #tpu.memory_space<semaphore_mem>>)
    %add3A_45 = arith.constant 8 : i32
    %add3A_46 = arith.addi %mul3A_32, %add3A_45 : i32
    %dma_start3A_47 = arith.constant 8 : i32
    %dma_start3A_48 = tpu.memref_slice %arg6[%dma_start3A_47] : memref<512xi32, #tpu.memory_space<vmem>> -> memref<8xi32, #tpu.memory_space<vmem>>
    %dma_start3A_49 = arith.constant 0 : i32
    %dma_start3A_50 = arith.constant 0 : i32
    %dma_start3A_51 = tpu.memref_slice %arg4[%dma_start3A_49, %dma_start3A_50] : memref<8192x1024xf32, #tpu.memory_space<hbm>> -> memref<8192x1024xf32, #tpu.memory_space<hbm>>
    tpu.enqueue_indirect_dma source(%dma_start3A_51 : memref<8192x1024xf32, #tpu.memory_space<hbm>>) target(%arg12 : memref<8x1024xf32, #tpu.memory_space<vmem>>) offsets(%dma_start3A_48 : memref<8xi32, #tpu.memory_space<vmem>>) semaphore(%arg24 : memref<!tpu.dma_semaphore, #tpu.memory_space<semaphore_mem>>)
    %dma_start3A_52 = arith.constant 0 : i32
    %dma_start3A_53 = tpu.memref_slice %arg2[%select_n3A, %add3A_46, %dma_start3A_52] : memref<4x4096x1024xf32, #tpu.memory_space<hbm>> -> memref<1x8x1024xf32, #tpu.memory_space<hbm>>
    %dma_start3A_54 = tpu.memref_squeeze %dma_start3A_53 : memref<1x8x1024xf32, #tpu.memory_space<hbm>> -> memref<8x1024xf32, #tpu.memory_space<hbm>>
    %dma_start3A_55 = arith.constant 0 : i32
    %dma_start3A_56 = tpu.memref_slice %arg2[%select_n3A, %add3A_46, %dma_start3A_55] : memref<4x4096x1024xf32, #tpu.memory_space<hbm>> -> memref<1x8x1024xf32, #tpu.memory_space<hbm>>
    %dma_start3A_57 = tpu.memref_squeeze %dma_start3A_56 : memref<1x8x1024xf32, #tpu.memory_space<hbm>> -> memref<8x1024xf32, #tpu.memory_space<hbm>>
    tpu.enqueue_dma source(%dma_start3A_57 : memref<8x1024xf32, #tpu.memory_space<hbm>>) target(%arg8 : memref<8x1024xf32, #tpu.memory_space<vmem>>) target_semaphore(%arg20 : memref<!tpu.dma_semaphore, #tpu.memory_space<semaphore_mem>>)
    %add3A_58 = arith.constant 16 : i32
    %add3A_59 = arith.addi %mul3A_32, %add3A_58 : i32
    %dma_start3A_60 = arith.constant 16 : i32
    %dma_start3A_61 = tpu.memref_slice %arg6[%dma_start3A_60] : memref<512xi32, #tpu.memory_space<vmem>> -> memref<8xi32, #tpu.memory_space<vmem>>
    %dma_start3A_62 = arith.constant 0 : i32
    %dma_start3A_63 = arith.constant 0 : i32
    %dma_start3A_64 = tpu.memref_slice %arg4[%dma_start3A_62, %dma_start3A_63] : memref<8192x1024xf32, #tpu.memory_space<hbm>> -> memref<8192x1024xf32, #tpu.memory_space<hbm>>
    tpu.enqueue_indirect_dma source(%dma_start3A_64 : memref<8192x1024xf32, #tpu.memory_space<hbm>>) target(%arg13 : memref<8x1024xf32, #tpu.memory_space<vmem>>) offsets(%dma_start3A_61 : memref<8xi32, #tpu.memory_space<vmem>>) semaphore(%arg25 : memref<!tpu.dma_semaphore, #tpu.memory_space<semaphore_mem>>)
    %dma_start3A_65 = arith.constant 0 : i32
    %dma_start3A_66 = tpu.memref_slice %arg2[%select_n3A, %add3A_59, %dma_start3A_65] : memref<4x4096x1024xf32, #tpu.memory_space<hbm>> -> memref<1x8x1024xf32, #tpu.memory_space<hbm>>
    %dma_start3A_67 = tpu.memref_squeeze %dma_start3A_66 : memref<1x8x1024xf32, #tpu.memory_space<hbm>> -> memref<8x1024xf32, #tpu.memory_space<hbm>>
    %dma_start3A_68 = arith.constant 0 : i32
    %dma_start3A_69 = tpu.memref_slice %arg2[%select_n3A, %add3A_59, %dma_start3A_68] : memref<4x4096x1024xf32, #tpu.memory_space<hbm>> -> memref<1x8x1024xf32, #tpu.memory_space<hbm>>
    %dma_start3A_70 = tpu.memref_squeeze %dma_start3A_69 : memref<1x8x1024xf32, #tpu.memory_space<hbm>> -> memref<8x1024xf32, #tpu.memory_space<hbm>>
    tpu.enqueue_dma source(%dma_start3A_70 : memref<8x1024xf32, #tpu.memory_space<hbm>>) target(%arg9 : memref<8x1024xf32, #tpu.memory_space<vmem>>) target_semaphore(%arg21 : memref<!tpu.dma_semaphore, #tpu.memory_space<semaphore_mem>>)
    %add3A_71 = arith.constant 24 : i32
    %add3A_72 = arith.addi %mul3A_32, %add3A_71 : i32
    %dma_start3A_73 = arith.constant 24 : i32
    %dma_start3A_74 = tpu.memref_slice %arg6[%dma_start3A_73] : memref<512xi32, #tpu.memory_space<vmem>> -> memref<8xi32, #tpu.memory_space<vmem>>
    %dma_start3A_75 = arith.constant 0 : i32
    %dma_start3A_76 = arith.constant 0 : i32
    %dma_start3A_77 = tpu.memref_slice %arg4[%dma_start3A_75, %dma_start3A_76] : memref<8192x1024xf32, #tpu.memory_space<hbm>> -> memref<8192x1024xf32, #tpu.memory_space<hbm>>
    tpu.enqueue_indirect_dma source(%dma_start3A_77 : memref<8192x1024xf32, #tpu.memory_space<hbm>>) target(%arg14 : memref<8x1024xf32, #tpu.memory_space<vmem>>) offsets(%dma_start3A_74 : memref<8xi32, #tpu.memory_space<vmem>>) semaphore(%arg26 : memref<!tpu.dma_semaphore, #tpu.memory_space<semaphore_mem>>)
    %dma_start3A_78 = arith.constant 0 : i32
    %dma_start3A_79 = tpu.memref_slice %arg2[%select_n3A, %add3A_72, %dma_start3A_78] : memref<4x4096x1024xf32, #tpu.memory_space<hbm>> -> memref<1x8x1024xf32, #tpu.memory_space<hbm>>
    %dma_start3A_80 = tpu.memref_squeeze %dma_start3A_79 : memref<1x8x1024xf32, #tpu.memory_space<hbm>> -> memref<8x1024xf32, #tpu.memory_space<hbm>>
    %dma_start3A_81 = arith.constant 0 : i32
    %dma_start3A_82 = tpu.memref_slice %arg2[%select_n3A, %add3A_72, %dma_start3A_81] : memref<4x4096x1024xf32, #tpu.memory_space<hbm>> -> memref<1x8x1024xf32, #tpu.memory_space<hbm>>
    %dma_start3A_83 = tpu.memref_squeeze %dma_start3A_82 : memref<1x8x1024xf32, #tpu.memory_space<hbm>> -> memref<8x1024xf32, #tpu.memory_space<hbm>>
    tpu.enqueue_dma source(%dma_start3A_83 : memref<8x1024xf32, #tpu.memory_space<hbm>>) target(%arg10 : memref<8x1024xf32, #tpu.memory_space<vmem>>) target_semaphore(%arg22 : memref<!tpu.dma_semaphore, #tpu.memory_space<semaphore_mem>>)
    %scan3A = arith.constant 0 : i32
    %scan3A_84 = arith.constant 0 : i32
    %scan3A_85 = arith.constant 16 : i32
    %scan3A_86 = arith.addi %scan3A_84, %scan3A_85 : i32
    %scan3A_87 = arith.constant 1 : i32
    scf.for %scan3A_112 = %scan3A_84 to %scan3A_86 step %scan3A_87  : i32 {
      %mul3A_113 = arith.constant 4 : i32
      %mul3A_114 = arith.muli %scan3A_112, %mul3A_113 : i32
      %add3A_115 = arith.constant 0 : i32
      %add3A_116 = arith.addi %mul3A_114, %add3A_115 : i32
      %mul3A_117 = arith.constant 8 : i32
      %mul3A_118 = arith.muli %add3A_116, %mul3A_117 : i32
      %add3A_119 = arith.addi %mul3A_32, %mul3A_118 : i32
      %dma_wait3A_120 = arith.constant 0 : i32
      %dma_wait3A_121 = tpu.memref_slice %arg2[%select_n3A, %add3A_119, %dma_wait3A_120] : memref<4x4096x1024xf32, #tpu.memory_space<hbm>> -> memref<1x8x1024xf32, #tpu.memory_space<hbm>>
      %dma_wait3A_122 = tpu.memref_squeeze %dma_wait3A_121 : memref<1x8x1024xf32, #tpu.memory_space<hbm>> -> memref<8x1024xf32, #tpu.memory_space<hbm>>
      %dma_wait3A_123 = arith.constant 0 : i32
      %dma_wait3A_124 = tpu.memref_slice %arg2[%select_n3A, %add3A_119, %dma_wait3A_123] : memref<4x4096x1024xf32, #tpu.memory_space<hbm>> -> memref<1x8x1024xf32, #tpu.memory_space<hbm>>
      %dma_wait3A_125 = tpu.memref_squeeze %dma_wait3A_124 : memref<1x8x1024xf32, #tpu.memory_space<hbm>> -> memref<8x1024xf32, #tpu.memory_space<hbm>>
      tpu.wait_dma2 semaphore(%arg23 : memref<!tpu.dma_semaphore, #tpu.memory_space<semaphore_mem>>) src(%dma_wait3A_125 : memref<8x1024xf32, #tpu.memory_space<hbm>>) dst(%arg11 : memref<8x1024xf32, #tpu.memory_space<vmem>>)
      %dma_wait3A_126 = arith.constant 0 : i32
      %dma_wait3A_127 = tpu.memref_slice %arg2[%select_n3A, %add3A_119, %dma_wait3A_126] : memref<4x4096x1024xf32, #tpu.memory_space<hbm>> -> memref<1x8x1024xf32, #tpu.memory_space<hbm>>
      %dma_wait3A_128 = tpu.memref_squeeze %dma_wait3A_127 : memref<1x8x1024xf32, #tpu.memory_space<hbm>> -> memref<8x1024xf32, #tpu.memory_space<hbm>>
      %dma_wait3A_129 = arith.constant 0 : i32
      %dma_wait3A_130 = tpu.memref_slice %arg2[%select_n3A, %add3A_119, %dma_wait3A_129] : memref<4x4096x1024xf32, #tpu.memory_space<hbm>> -> memref<1x8x1024xf32, #tpu.memory_space<hbm>>
      %dma_wait3A_131 = tpu.memref_squeeze %dma_wait3A_130 : memref<1x8x1024xf32, #tpu.memory_space<hbm>> -> memref<8x1024xf32, #tpu.memory_space<hbm>>
      tpu.wait_dma2 semaphore(%arg19 : memref<!tpu.dma_semaphore, #tpu.memory_space<semaphore_mem>>) src(%dma_wait3A_131 : memref<8x1024xf32, #tpu.memory_space<hbm>>) dst(%arg7 : memref<8x1024xf32, #tpu.memory_space<vmem>>)
      %ge3A = arith.constant 4 : i32
      %ge3A_132 = arith.cmpi sge, %add3A_116, %ge3A : i32
      %convert_element_type3A = arith.extui %ge3A_132 : i1 to i32
      %cond3A = arith.constant 0 : i32
      %cond3A_133 = arith.cmpi ne, %convert_element_type3A, %cond3A : i32
      scf.if %cond3A_133 {
        %dma_wait3A_269 = arith.constant 0 : i32
        %dma_wait3A_270 = tpu.memref_slice %arg5[%select_n3A, %add3A_119, %dma_wait3A_269] : memref<4x4096x1024xf32, #tpu.memory_space<hbm>> -> memref<1x8x1024xf32, #tpu.memory_space<hbm>>
        %dma_wait3A_271 = tpu.memref_squeeze %dma_wait3A_270 : memref<1x8x1024xf32, #tpu.memory_space<hbm>> -> memref<8x1024xf32, #tpu.memory_space<hbm>>
        %dma_wait3A_272 = arith.constant 0 : i32
        %dma_wait3A_273 = tpu.memref_slice %arg5[%select_n3A, %add3A_119, %dma_wait3A_272] : memref<4x4096x1024xf32, #tpu.memory_space<hbm>> -> memref<1x8x1024xf32, #tpu.memory_space<hbm>>
        %dma_wait3A_274 = tpu.memref_squeeze %dma_wait3A_273 : memref<1x8x1024xf32, #tpu.memory_space<hbm>> -> memref<8x1024xf32, #tpu.memory_space<hbm>>
        tpu.wait_dma2 semaphore(%arg27 : memref<!tpu.dma_semaphore, #tpu.memory_space<semaphore_mem>>) src(%arg15 : memref<8x1024xf32, #tpu.memory_space<vmem>>) dst(%dma_wait3A_274 : memref<8x1024xf32, #tpu.memory_space<hbm>>)
      } else {
      }
      %parallel_loop3A = arith.constant 0 : i32
      %parallel_loop3A_134 = arith.constant 512 : i32
      %parallel_loop3A_135 = arith.constant 1 : i32
      scf.for %parallel_loop3A_269 = %parallel_loop3A to %parallel_loop3A_134 step %parallel_loop3A_135  : i32 {
        %parallel_loop3A_270 = arith.constant 64 : i32
        %parallel_loop3A_271 = arith.divsi %parallel_loop3A_269, %parallel_loop3A_270 : i32
        %parallel_loop3A_272 = arith.constant 0 : i32
        %parallel_loop3A_273 = arith.cmpi sgt, %parallel_loop3A_269, %parallel_loop3A_272 : i32
        %parallel_loop3A_274 = arith.extui %parallel_loop3A_273 : i1 to i32
        %parallel_loop3A_275 = arith.constant 0 : i32
        %parallel_loop3A_276 = arith.cmpi slt, %parallel_loop3A_269, %parallel_loop3A_275 : i32
        %parallel_loop3A_277 = arith.extui %parallel_loop3A_276 : i1 to i32
        %parallel_loop3A_278 = arith.subi %parallel_loop3A_274, %parallel_loop3A_277 : i32
        %parallel_loop3A_279 = arith.constant 0 : i32
        %parallel_loop3A_280 = arith.cmpi sgt, %parallel_loop3A_270, %parallel_loop3A_279 : i32
        %parallel_loop3A_281 = arith.extui %parallel_loop3A_280 : i1 to i32
        %parallel_loop3A_282 = arith.constant 0 : i32
        %parallel_loop3A_283 = arith.cmpi slt, %parallel_loop3A_270, %parallel_loop3A_282 : i32
        %parallel_loop3A_284 = arith.extui %parallel_loop3A_283 : i1 to i32
        %parallel_loop3A_285 = arith.subi %parallel_loop3A_281, %parallel_loop3A_284 : i32
        %parallel_loop3A_286 = arith.cmpi ne, %parallel_loop3A_278, %parallel_loop3A_285 : i32
        %parallel_loop3A_287 = arith.remsi %parallel_loop3A_269, %parallel_loop3A_270 : i32
        %parallel_loop3A_288 = arith.constant 0 : i32
        %parallel_loop3A_289 = arith.cmpi ne, %parallel_loop3A_287, %parallel_loop3A_288 : i32
        %parallel_loop3A_290 = arith.andi %parallel_loop3A_286, %parallel_loop3A_289 : i1
        %parallel_loop3A_291 = arith.constant 1 : i32
        %parallel_loop3A_292 = arith.subi %parallel_loop3A_271, %parallel_loop3A_291 : i32
        %parallel_loop3A_293 = arith.select %parallel_loop3A_290, %parallel_loop3A_292, %parallel_loop3A_271 : i32
        %parallel_loop3A_294 = arith.constant 64 : i32
        %parallel_loop3A_295 = arith.constant 0 : i32
        %parallel_loop3A_296 = arith.cmpi eq, %parallel_loop3A_294, %parallel_loop3A_295 : i32
        %parallel_loop3A_297 = arith.constant 1 : i32
        %parallel_loop3A_298 = arith.select %parallel_loop3A_296, %parallel_loop3A_297, %parallel_loop3A_294 : i32
        %parallel_loop3A_299 = arith.remsi %parallel_loop3A_269, %parallel_loop3A_298 : i32
        %parallel_loop3A_300 = arith.constant 0 : i32
        %parallel_loop3A_301 = arith.cmpi ne, %parallel_loop3A_299, %parallel_loop3A_300 : i32
        %parallel_loop3A_302 = arith.constant 0 : i32
        %parallel_loop3A_303 = arith.cmpi slt, %parallel_loop3A_299, %parallel_loop3A_302 : i32
        %parallel_loop3A_304 = arith.constant 0 : i32
        %parallel_loop3A_305 = arith.cmpi slt, %parallel_loop3A_298, %parallel_loop3A_304 : i32
        %parallel_loop3A_306 = arith.xori %parallel_loop3A_303, %parallel_loop3A_305 : i1
        %parallel_loop3A_307 = arith.andi %parallel_loop3A_306, %parallel_loop3A_301 : i1
        %parallel_loop3A_308 = arith.addi %parallel_loop3A_299, %parallel_loop3A_298 : i32
        %parallel_loop3A_309 = arith.select %parallel_loop3A_307, %parallel_loop3A_308, %parallel_loop3A_299 : i32
        %parallel_loop3A_310 = arith.constant 16 : i32
        %parallel_loop3A_311 = arith.muli %parallel_loop3A_309, %parallel_loop3A_310 : i32
        %parallel_loop3A_312 = arith.index_cast %parallel_loop3A_293 : i32 to index
        %parallel_loop3A_313 = arith.index_cast %parallel_loop3A_311 : i32 to index
        %parallel_loop3A_314 = tpu.vector_load %arg7[%parallel_loop3A_312, %parallel_loop3A_313] {strides = array<i32>} : memref<8x1024xf32, #tpu.memory_space<vmem>>, vector<1x16xf32>,
        %parallel_loop3A_315 = vector.shape_cast %parallel_loop3A_314 : vector<1x16xf32> to vector<16xf32>
        %parallel_loop3A_316 = arith.index_cast %parallel_loop3A_293 : i32 to index
        %parallel_loop3A_317 = arith.index_cast %parallel_loop3A_311 : i32 to index
        %parallel_loop3A_318 = tpu.vector_load %arg11[%parallel_loop3A_316, %parallel_loop3A_317] {strides = array<i32>} : memref<8x1024xf32, #tpu.memory_space<vmem>>, vector<1x16xf32>,
        %parallel_loop3A_319 = vector.shape_cast %parallel_loop3A_318 : vector<1x16xf32> to vector<16xf32>
        %parallel_loop3A_320 = arith.addf %parallel_loop3A_315, %parallel_loop3A_319 : vector<16xf32>
        %parallel_loop3A_321 = arith.index_cast %parallel_loop3A_293 : i32 to index
        %parallel_loop3A_322 = arith.index_cast %parallel_loop3A_311 : i32 to index
        %parallel_loop3A_323 = tpu.vector_load %arg15[%parallel_loop3A_321, %parallel_loop3A_322] {strides = array<i32>} : memref<8x1024xf32, #tpu.memory_space<vmem>>, vector<1x16xf32>,
        %parallel_loop3A_324 = vector.shape_cast %parallel_loop3A_323 : vector<1x16xf32> to vector<16xf32>
        %parallel_loop3A_325 = vector.shape_cast %parallel_loop3A_320 : vector<16xf32> to vector<1x16xf32>
        tpu.vector_store %arg15[%parallel_loop3A_321, %parallel_loop3A_322], %parallel_loop3A_325 {strides = array<i32>} : memref<8x1024xf32, #tpu.memory_space<vmem>>, vector<1x16xf32>,
      } {sc.loop_unroll_factor = 8 : i64, sc.parallel_access}
      %dma_start3A_136 = arith.constant 0 : i32
      %dma_start3A_137 = tpu.memref_slice %arg5[%select_n3A, %add3A_119, %dma_start3A_136] : memref<4x4096x1024xf32, #tpu.memory_space<hbm>> -> memref<1x8x1024xf32, #tpu.memory_space<hbm>>
      %dma_start3A_138 = tpu.memref_squeeze %dma_start3A_137 : memref<1x8x1024xf32, #tpu.memory_space<hbm>> -> memref<8x1024xf32, #tpu.memory_space<hbm>>
      %dma_start3A_139 = arith.constant 0 : i32
      %dma_start3A_140 = tpu.memref_slice %arg5[%select_n3A, %add3A_119, %dma_start3A_139] : memref<4x4096x1024xf32, #tpu.memory_space<hbm>> -> memref<1x8x1024xf32, #tpu.memory_space<hbm>>
      %dma_start3A_141 = tpu.memref_squeeze %dma_start3A_140 : memref<1x8x1024xf32, #tpu.memory_space<hbm>> -> memref<8x1024xf32, #tpu.memory_space<hbm>>
      tpu.enqueue_dma source(%arg15 : memref<8x1024xf32, #tpu.memory_space<vmem>>) target(%dma_start3A_141 : memref<8x1024xf32, #tpu.memory_space<hbm>>) target_semaphore(%arg27 : memref<!tpu.dma_semaphore, #tpu.memory_space<semaphore_mem>>)
      %add3A_142 = arith.constant 4 : i32
      %add3A_143 = arith.addi %add3A_116, %add3A_142 : i32
      %lt3A_144 = arith.constant 64 : i32
      %lt3A_145 = arith.cmpi slt, %add3A_143, %lt3A_144 : i32
      %convert_element_type3A_146 = arith.extui %lt3A_145 : i1 to i32
      %cond3A_147 = arith.constant 0 : i32
      %cond3A_148 = arith.cmpi ne, %convert_element_type3A_146, %cond3A_147 : i32
      scf.if %cond3A_148 {
        %add3A_269 = arith.constant 4 : i32
        %add3A_270 = arith.addi %add3A_116, %add3A_269 : i32
        %mul3A_271 = arith.constant 8 : i32
        %mul3A_272 = arith.muli %add3A_270, %mul3A_271 : i32
        %add3A_273 = arith.addi %mul3A_32, %mul3A_272 : i32
        %mul3A_274 = arith.constant 8 : i32
        %mul3A_275 = arith.muli %add3A_270, %mul3A_274 : i32
        %dma_start3A_276 = tpu.memref_slice %arg6[%mul3A_275] : memref<512xi32, #tpu.memory_space<vmem>> -> memref<8xi32, #tpu.memory_space<vmem>>
        %dma_start3A_277 = arith.constant 0 : i32
        %dma_start3A_278 = arith.constant 0 : i32
        %dma_start3A_279 = tpu.memref_slice %arg4[%dma_start3A_277, %dma_start3A_278] : memref<8192x1024xf32, #tpu.memory_space<hbm>> -> memref<8192x1024xf32, #tpu.memory_space<hbm>>
        tpu.enqueue_indirect_dma source(%dma_start3A_279 : memref<8192x1024xf32, #tpu.memory_space<hbm>>) target(%arg11 : memref<8x1024xf32, #tpu.memory_space<vmem>>) offsets(%dma_start3A_276 : memref<8xi32, #tpu.memory_space<vmem>>) semaphore(%arg23 : memref<!tpu.dma_semaphore, #tpu.memory_space<semaphore_mem>>)
        %dma_start3A_280 = arith.constant 0 : i32
        %dma_start3A_281 = tpu.memref_slice %arg2[%select_n3A, %add3A_273, %dma_start3A_280] : memref<4x4096x1024xf32, #tpu.memory_space<hbm>> -> memref<1x8x1024xf32, #tpu.memory_space<hbm>>
        %dma_start3A_282 = tpu.memref_squeeze %dma_start3A_281 : memref<1x8x1024xf32, #tpu.memory_space<hbm>> -> memref<8x1024xf32, #tpu.memory_space<hbm>>
        %dma_start3A_283 = arith.constant 0 : i32
        %dma_start3A_284 = tpu.memref_slice %arg2[%select_n3A, %add3A_273, %dma_start3A_283] : memref<4x4096x1024xf32, #tpu.memory_space<hbm>> -> memref<1x8x1024xf32, #tpu.memory_space<hbm>>
        %dma_start3A_285 = tpu.memref_squeeze %dma_start3A_284 : memref<1x8x1024xf32, #tpu.memory_space<hbm>> -> memref<8x1024xf32, #tpu.memory_space<hbm>>
        tpu.enqueue_dma source(%dma_start3A_285 : memref<8x1024xf32, #tpu.memory_space<hbm>>) target(%arg7 : memref<8x1024xf32, #tpu.memory_space<vmem>>) target_semaphore(%arg19 : memref<!tpu.dma_semaphore, #tpu.memory_space<semaphore_mem>>)
      } else {
      }
      %mul3A_149 = arith.constant 4 : i32
      %mul3A_150 = arith.muli %scan3A_112, %mul3A_149 : i32
      %add3A_151 = arith.constant 1 : i32
      %add3A_152 = arith.addi %mul3A_150, %add3A_151 : i32
      %mul3A_153 = arith.constant 8 : i32
      %mul3A_154 = arith.muli %add3A_152, %mul3A_153 : i32
      %add3A_155 = arith.addi %mul3A_32, %mul3A_154 : i32
      %dma_wait3A_156 = arith.constant 0 : i32
      %dma_wait3A_157 = tpu.memref_slice %arg2[%select_n3A, %add3A_155, %dma_wait3A_156] : memref<4x4096x1024xf32, #tpu.memory_space<hbm>> -> memref<1x8x1024xf32, #tpu.memory_space<hbm>>
      %dma_wait3A_158 = tpu.memref_squeeze %dma_wait3A_157 : memref<1x8x1024xf32, #tpu.memory_space<hbm>> -> memref<8x1024xf32, #tpu.memory_space<hbm>>
      %dma_wait3A_159 = arith.constant 0 : i32
      %dma_wait3A_160 = tpu.memref_slice %arg2[%select_n3A, %add3A_155, %dma_wait3A_159] : memref<4x4096x1024xf32, #tpu.memory_space<hbm>> -> memref<1x8x1024xf32, #tpu.memory_space<hbm>>
      %dma_wait3A_161 = tpu.memref_squeeze %dma_wait3A_160 : memref<1x8x1024xf32, #tpu.memory_space<hbm>> -> memref<8x1024xf32, #tpu.memory_space<hbm>>
      tpu.wait_dma2 semaphore(%arg24 : memref<!tpu.dma_semaphore, #tpu.memory_space<semaphore_mem>>) src(%dma_wait3A_161 : memref<8x1024xf32, #tpu.memory_space<hbm>>) dst(%arg12 : memref<8x1024xf32, #tpu.memory_space<vmem>>)
      %dma_wait3A_162 = arith.constant 0 : i32
      %dma_wait3A_163 = tpu.memref_slice %arg2[%select_n3A, %add3A_155, %dma_wait3A_162] : memref<4x4096x1024xf32, #tpu.memory_space<hbm>> -> memref<1x8x1024xf32, #tpu.memory_space<hbm>>
      %dma_wait3A_164 = tpu.memref_squeeze %dma_wait3A_163 : memref<1x8x1024xf32, #tpu.memory_space<hbm>> -> memref<8x1024xf32, #tpu.memory_space<hbm>>
      %dma_wait3A_165 = arith.constant 0 : i32
      %dma_wait3A_166 = tpu.memref_slice %arg2[%select_n3A, %add3A_155, %dma_wait3A_165] : memref<4x4096x1024xf32, #tpu.memory_space<hbm>> -> memref<1x8x1024xf32, #tpu.memory_space<hbm>>
      %dma_wait3A_167 = tpu.memref_squeeze %dma_wait3A_166 : memref<1x8x1024xf32, #tpu.memory_space<hbm>> -> memref<8x1024xf32, #tpu.memory_space<hbm>>
      tpu.wait_dma2 semaphore(%arg20 : memref<!tpu.dma_semaphore, #tpu.memory_space<semaphore_mem>>) src(%dma_wait3A_167 : memref<8x1024xf32, #tpu.memory_space<hbm>>) dst(%arg8 : memref<8x1024xf32, #tpu.memory_space<vmem>>)
      %ge3A_168 = arith.constant 4 : i32
      %ge3A_169 = arith.cmpi sge, %add3A_152, %ge3A_168 : i32
      %convert_element_type3A_170 = arith.extui %ge3A_169 : i1 to i32
      %cond3A_171 = arith.constant 0 : i32
      %cond3A_172 = arith.cmpi ne, %convert_element_type3A_170, %cond3A_171 : i32
      scf.if %cond3A_172 {
        %dma_wait3A_269 = arith.constant 0 : i32
        %dma_wait3A_270 = tpu.memref_slice %arg5[%select_n3A, %add3A_155, %dma_wait3A_269] : memref<4x4096x1024xf32, #tpu.memory_space<hbm>> -> memref<1x8x1024xf32, #tpu.memory_space<hbm>>
        %dma_wait3A_271 = tpu.memref_squeeze %dma_wait3A_270 : memref<1x8x1024xf32, #tpu.memory_space<hbm>> -> memref<8x1024xf32, #tpu.memory_space<hbm>>
        %dma_wait3A_272 = arith.constant 0 : i32
        %dma_wait3A_273 = tpu.memref_slice %arg5[%select_n3A, %add3A_155, %dma_wait3A_272] : memref<4x4096x1024xf32, #tpu.memory_space<hbm>> -> memref<1x8x1024xf32, #tpu.memory_space<hbm>>
        %dma_wait3A_274 = tpu.memref_squeeze %dma_wait3A_273 : memref<1x8x1024xf32, #tpu.memory_space<hbm>> -> memref<8x1024xf32, #tpu.memory_space<hbm>>
        tpu.wait_dma2 semaphore(%arg28 : memref<!tpu.dma_semaphore, #tpu.memory_space<semaphore_mem>>) src(%arg16 : memref<8x1024xf32, #tpu.memory_space<vmem>>) dst(%dma_wait3A_274 : memref<8x1024xf32, #tpu.memory_space<hbm>>)
      } else {
      }
      %parallel_loop3A_173 = arith.constant 0 : i32
      %parallel_loop3A_174 = arith.constant 512 : i32
      %parallel_loop3A_175 = arith.constant 1 : i32
      scf.for %parallel_loop3A_269 = %parallel_loop3A_173 to %parallel_loop3A_174 step %parallel_loop3A_175  : i32 {
        %parallel_loop3A_270 = arith.constant 64 : i32
        %parallel_loop3A_271 = arith.divsi %parallel_loop3A_269, %parallel_loop3A_270 : i32
        %parallel_loop3A_272 = arith.constant 0 : i32
        %parallel_loop3A_273 = arith.cmpi sgt, %parallel_loop3A_269, %parallel_loop3A_272 : i32
        %parallel_loop3A_274 = arith.extui %parallel_loop3A_273 : i1 to i32
        %parallel_loop3A_275 = arith.constant 0 : i32
        %parallel_loop3A_276 = arith.cmpi slt, %parallel_loop3A_269, %parallel_loop3A_275 : i32
        %parallel_loop3A_277 = arith.extui %parallel_loop3A_276 : i1 to i32
        %parallel_loop3A_278 = arith.subi %parallel_loop3A_274, %parallel_loop3A_277 : i32
        %parallel_loop3A_279 = arith.constant 0 : i32
        %parallel_loop3A_280 = arith.cmpi sgt, %parallel_loop3A_270, %parallel_loop3A_279 : i32
        %parallel_loop3A_281 = arith.extui %parallel_loop3A_280 : i1 to i32
        %parallel_loop3A_282 = arith.constant 0 : i32
        %parallel_loop3A_283 = arith.cmpi slt, %parallel_loop3A_270, %parallel_loop3A_282 : i32
        %parallel_loop3A_284 = arith.extui %parallel_loop3A_283 : i1 to i32
        %parallel_loop3A_285 = arith.subi %parallel_loop3A_281, %parallel_loop3A_284 : i32
        %parallel_loop3A_286 = arith.cmpi ne, %parallel_loop3A_278, %parallel_loop3A_285 : i32
        %parallel_loop3A_287 = arith.remsi %parallel_loop3A_269, %parallel_loop3A_270 : i32
        %parallel_loop3A_288 = arith.constant 0 : i32
        %parallel_loop3A_289 = arith.cmpi ne, %parallel_loop3A_287, %parallel_loop3A_288 : i32
        %parallel_loop3A_290 = arith.andi %parallel_loop3A_286, %parallel_loop3A_289 : i1
        %parallel_loop3A_291 = arith.constant 1 : i32
        %parallel_loop3A_292 = arith.subi %parallel_loop3A_271, %parallel_loop3A_291 : i32
        %parallel_loop3A_293 = arith.select %parallel_loop3A_290, %parallel_loop3A_292, %parallel_loop3A_271 : i32
        %parallel_loop3A_294 = arith.constant 64 : i32
        %parallel_loop3A_295 = arith.constant 0 : i32
        %parallel_loop3A_296 = arith.cmpi eq, %parallel_loop3A_294, %parallel_loop3A_295 : i32
        %parallel_loop3A_297 = arith.constant 1 : i32
        %parallel_loop3A_298 = arith.select %parallel_loop3A_296, %parallel_loop3A_297, %parallel_loop3A_294 : i32
        %parallel_loop3A_299 = arith.remsi %parallel_loop3A_269, %parallel_loop3A_298 : i32
        %parallel_loop3A_300 = arith.constant 0 : i32
        %parallel_loop3A_301 = arith.cmpi ne, %parallel_loop3A_299, %parallel_loop3A_300 : i32
        %parallel_loop3A_302 = arith.constant 0 : i32
        %parallel_loop3A_303 = arith.cmpi slt, %parallel_loop3A_299, %parallel_loop3A_302 : i32
        %parallel_loop3A_304 = arith.constant 0 : i32
        %parallel_loop3A_305 = arith.cmpi slt, %parallel_loop3A_298, %parallel_loop3A_304 : i32
        %parallel_loop3A_306 = arith.xori %parallel_loop3A_303, %parallel_loop3A_305 : i1
        %parallel_loop3A_307 = arith.andi %parallel_loop3A_306, %parallel_loop3A_301 : i1
        %parallel_loop3A_308 = arith.addi %parallel_loop3A_299, %parallel_loop3A_298 : i32
        %parallel_loop3A_309 = arith.select %parallel_loop3A_307, %parallel_loop3A_308, %parallel_loop3A_299 : i32
        %parallel_loop3A_310 = arith.constant 16 : i32
        %parallel_loop3A_311 = arith.muli %parallel_loop3A_309, %parallel_loop3A_310 : i32
        %parallel_loop3A_312 = arith.index_cast %parallel_loop3A_293 : i32 to index
        %parallel_loop3A_313 = arith.index_cast %parallel_loop3A_311 : i32 to index
        %parallel_loop3A_314 = tpu.vector_load %arg8[%parallel_loop3A_312, %parallel_loop3A_313] {strides = array<i32>} : memref<8x1024xf32, #tpu.memory_space<vmem>>, vector<1x16xf32>,
        %parallel_loop3A_315 = vector.shape_cast %parallel_loop3A_314 : vector<1x16xf32> to vector<16xf32>
        %parallel_loop3A_316 = arith.index_cast %parallel_loop3A_293 : i32 to index
        %parallel_loop3A_317 = arith.index_cast %parallel_loop3A_311 : i32 to index
        %parallel_loop3A_318 = tpu.vector_load %arg12[%parallel_loop3A_316, %parallel_loop3A_317] {strides = array<i32>} : memref<8x1024xf32, #tpu.memory_space<vmem>>, vector<1x16xf32>,
        %parallel_loop3A_319 = vector.shape_cast %parallel_loop3A_318 : vector<1x16xf32> to vector<16xf32>
        %parallel_loop3A_320 = arith.addf %parallel_loop3A_315, %parallel_loop3A_319 : vector<16xf32>
        %parallel_loop3A_321 = arith.index_cast %parallel_loop3A_293 : i32 to index
        %parallel_loop3A_322 = arith.index_cast %parallel_loop3A_311 : i32 to index
        %parallel_loop3A_323 = tpu.vector_load %arg16[%parallel_loop3A_321, %parallel_loop3A_322] {strides = array<i32>} : memref<8x1024xf32, #tpu.memory_space<vmem>>, vector<1x16xf32>,
        %parallel_loop3A_324 = vector.shape_cast %parallel_loop3A_323 : vector<1x16xf32> to vector<16xf32>
        %parallel_loop3A_325 = vector.shape_cast %parallel_loop3A_320 : vector<16xf32> to vector<1x16xf32>
        tpu.vector_store %arg16[%parallel_loop3A_321, %parallel_loop3A_322], %parallel_loop3A_325 {strides = array<i32>} : memref<8x1024xf32, #tpu.memory_space<vmem>>, vector<1x16xf32>,
      } {sc.loop_unroll_factor = 8 : i64, sc.parallel_access}
      %dma_start3A_176 = arith.constant 0 : i32
      %dma_start3A_177 = tpu.memref_slice %arg5[%select_n3A, %add3A_155, %dma_start3A_176] : memref<4x4096x1024xf32, #tpu.memory_space<hbm>> -> memref<1x8x1024xf32, #tpu.memory_space<hbm>>
      %dma_start3A_178 = tpu.memref_squeeze %dma_start3A_177 : memref<1x8x1024xf32, #tpu.memory_space<hbm>> -> memref<8x1024xf32, #tpu.memory_space<hbm>>
      %dma_start3A_179 = arith.constant 0 : i32
      %dma_start3A_180 = tpu.memref_slice %arg5[%select_n3A, %add3A_155, %dma_start3A_179] : memref<4x4096x1024xf32, #tpu.memory_space<hbm>> -> memref<1x8x1024xf32, #tpu.memory_space<hbm>>
      %dma_start3A_181 = tpu.memref_squeeze %dma_start3A_180 : memref<1x8x1024xf32, #tpu.memory_space<hbm>> -> memref<8x1024xf32, #tpu.memory_space<hbm>>
      tpu.enqueue_dma source(%arg16 : memref<8x1024xf32, #tpu.memory_space<vmem>>) target(%dma_start3A_181 : memref<8x1024xf32, #tpu.memory_space<hbm>>) target_semaphore(%arg28 : memref<!tpu.dma_semaphore, #tpu.memory_space<semaphore_mem>>)
      %add3A_182 = arith.constant 4 : i32
      %add3A_183 = arith.addi %add3A_152, %add3A_182 : i32
      %lt3A_184 = arith.constant 64 : i32
      %lt3A_185 = arith.cmpi slt, %add3A_183, %lt3A_184 : i32
      %convert_element_type3A_186 = arith.extui %lt3A_185 : i1 to i32
      %cond3A_187 = arith.constant 0 : i32
      %cond3A_188 = arith.cmpi ne, %convert_element_type3A_186, %cond3A_187 : i32
      scf.if %cond3A_188 {
        %add3A_269 = arith.constant 4 : i32
        %add3A_270 = arith.addi %add3A_152, %add3A_269 : i32
        %mul3A_271 = arith.constant 8 : i32
        %mul3A_272 = arith.muli %add3A_270, %mul3A_271 : i32
        %add3A_273 = arith.addi %mul3A_32, %mul3A_272 : i32
        %mul3A_274 = arith.constant 8 : i32
        %mul3A_275 = arith.muli %add3A_270, %mul3A_274 : i32
        %dma_start3A_276 = tpu.memref_slice %arg6[%mul3A_275] : memref<512xi32, #tpu.memory_space<vmem>> -> memref<8xi32, #tpu.memory_space<vmem>>
        %dma_start3A_277 = arith.constant 0 : i32
        %dma_start3A_278 = arith.constant 0 : i32
        %dma_start3A_279 = tpu.memref_slice %arg4[%dma_start3A_277, %dma_start3A_278] : memref<8192x1024xf32, #tpu.memory_space<hbm>> -> memref<8192x1024xf32, #tpu.memory_space<hbm>>
        tpu.enqueue_indirect_dma source(%dma_start3A_279 : memref<8192x1024xf32, #tpu.memory_space<hbm>>) target(%arg12 : memref<8x1024xf32, #tpu.memory_space<vmem>>) offsets(%dma_start3A_276 : memref<8xi32, #tpu.memory_space<vmem>>) semaphore(%arg24 : memref<!tpu.dma_semaphore, #tpu.memory_space<semaphore_mem>>)
        %dma_start3A_280 = arith.constant 0 : i32
        %dma_start3A_281 = tpu.memref_slice %arg2[%select_n3A, %add3A_273, %dma_start3A_280] : memref<4x4096x1024xf32, #tpu.memory_space<hbm>> -> memref<1x8x1024xf32, #tpu.memory_space<hbm>>
        %dma_start3A_282 = tpu.memref_squeeze %dma_start3A_281 : memref<1x8x1024xf32, #tpu.memory_space<hbm>> -> memref<8x1024xf32, #tpu.memory_space<hbm>>
        %dma_start3A_283 = arith.constant 0 : i32
        %dma_start3A_284 = tpu.memref_slice %arg2[%select_n3A, %add3A_273, %dma_start3A_283] : memref<4x4096x1024xf32, #tpu.memory_space<hbm>> -> memref<1x8x1024xf32, #tpu.memory_space<hbm>>
        %dma_start3A_285 = tpu.memref_squeeze %dma_start3A_284 : memref<1x8x1024xf32, #tpu.memory_space<hbm>> -> memref<8x1024xf32, #tpu.memory_space<hbm>>
        tpu.enqueue_dma source(%dma_start3A_285 : memref<8x1024xf32, #tpu.memory_space<hbm>>) target(%arg8 : memref<8x1024xf32, #tpu.memory_space<vmem>>) target_semaphore(%arg20 : memref<!tpu.dma_semaphore, #tpu.memory_space<semaphore_mem>>)
      } else {
      }
      %mul3A_189 = arith.constant 4 : i32
      %mul3A_190 = arith.muli %scan3A_112, %mul3A_189 : i32
      %add3A_191 = arith.constant 2 : i32
      %add3A_192 = arith.addi %mul3A_190, %add3A_191 : i32
      %mul3A_193 = arith.constant 8 : i32
      %mul3A_194 = arith.muli %add3A_192, %mul3A_193 : i32
      %add3A_195 = arith.addi %mul3A_32, %mul3A_194 : i32
      %dma_wait3A_196 = arith.constant 0 : i32
      %dma_wait3A_197 = tpu.memref_slice %arg2[%select_n3A, %add3A_195, %dma_wait3A_196] : memref<4x4096x1024xf32, #tpu.memory_space<hbm>> -> memref<1x8x1024xf32, #tpu.memory_space<hbm>>
      %dma_wait3A_198 = tpu.memref_squeeze %dma_wait3A_197 : memref<1x8x1024xf32, #tpu.memory_space<hbm>> -> memref<8x1024xf32, #tpu.memory_space<hbm>>
      %dma_wait3A_199 = arith.constant 0 : i32
      %dma_wait3A_200 = tpu.memref_slice %arg2[%select_n3A, %add3A_195, %dma_wait3A_199] : memref<4x4096x1024xf32, #tpu.memory_space<hbm>> -> memref<1x8x1024xf32, #tpu.memory_space<hbm>>
      %dma_wait3A_201 = tpu.memref_squeeze %dma_wait3A_200 : memref<1x8x1024xf32, #tpu.memory_space<hbm>> -> memref<8x1024xf32, #tpu.memory_space<hbm>>
      tpu.wait_dma2 semaphore(%arg25 : memref<!tpu.dma_semaphore, #tpu.memory_space<semaphore_mem>>) src(%dma_wait3A_201 : memref<8x1024xf32, #tpu.memory_space<hbm>>) dst(%arg13 : memref<8x1024xf32, #tpu.memory_space<vmem>>)
      %dma_wait3A_202 = arith.constant 0 : i32
      %dma_wait3A_203 = tpu.memref_slice %arg2[%select_n3A, %add3A_195, %dma_wait3A_202] : memref<4x4096x1024xf32, #tpu.memory_space<hbm>> -> memref<1x8x1024xf32, #tpu.memory_space<hbm>>
      %dma_wait3A_204 = tpu.memref_squeeze %dma_wait3A_203 : memref<1x8x1024xf32, #tpu.memory_space<hbm>> -> memref<8x1024xf32, #tpu.memory_space<hbm>>
      %dma_wait3A_205 = arith.constant 0 : i32
      %dma_wait3A_206 = tpu.memref_slice %arg2[%select_n3A, %add3A_195, %dma_wait3A_205] : memref<4x4096x1024xf32, #tpu.memory_space<hbm>> -> memref<1x8x1024xf32, #tpu.memory_space<hbm>>
      %dma_wait3A_207 = tpu.memref_squeeze %dma_wait3A_206 : memref<1x8x1024xf32, #tpu.memory_space<hbm>> -> memref<8x1024xf32, #tpu.memory_space<hbm>>
      tpu.wait_dma2 semaphore(%arg21 : memref<!tpu.dma_semaphore, #tpu.memory_space<semaphore_mem>>) src(%dma_wait3A_207 : memref<8x1024xf32, #tpu.memory_space<hbm>>) dst(%arg9 : memref<8x1024xf32, #tpu.memory_space<vmem>>)
      %ge3A_208 = arith.constant 4 : i32
      %ge3A_209 = arith.cmpi sge, %add3A_192, %ge3A_208 : i32
      %convert_element_type3A_210 = arith.extui %ge3A_209 : i1 to i32
      %cond3A_211 = arith.constant 0 : i32
      %cond3A_212 = arith.cmpi ne, %convert_element_type3A_210, %cond3A_211 : i32
      scf.if %cond3A_212 {
        %dma_wait3A_269 = arith.constant 0 : i32
        %dma_wait3A_270 = tpu.memref_slice %arg5[%select_n3A, %add3A_195, %dma_wait3A_269] : memref<4x4096x1024xf32, #tpu.memory_space<hbm>> -> memref<1x8x1024xf32, #tpu.memory_space<hbm>>
        %dma_wait3A_271 = tpu.memref_squeeze %dma_wait3A_270 : memref<1x8x1024xf32, #tpu.memory_space<hbm>> -> memref<8x1024xf32, #tpu.memory_space<hbm>>
        %dma_wait3A_272 = arith.constant 0 : i32
        %dma_wait3A_273 = tpu.memref_slice %arg5[%select_n3A, %add3A_195, %dma_wait3A_272] : memref<4x4096x1024xf32, #tpu.memory_space<hbm>> -> memref<1x8x1024xf32, #tpu.memory_space<hbm>>
        %dma_wait3A_274 = tpu.memref_squeeze %dma_wait3A_273 : memref<1x8x1024xf32, #tpu.memory_space<hbm>> -> memref<8x1024xf32, #tpu.memory_space<hbm>>
        tpu.wait_dma2 semaphore(%arg29 : memref<!tpu.dma_semaphore, #tpu.memory_space<semaphore_mem>>) src(%arg17 : memref<8x1024xf32, #tpu.memory_space<vmem>>) dst(%dma_wait3A_274 : memref<8x1024xf32, #tpu.memory_space<hbm>>)
      } else {
      }
      %parallel_loop3A_213 = arith.constant 0 : i32
      %parallel_loop3A_214 = arith.constant 512 : i32
      %parallel_loop3A_215 = arith.constant 1 : i32
      scf.for %parallel_loop3A_269 = %parallel_loop3A_213 to %parallel_loop3A_214 step %parallel_loop3A_215  : i32 {
        %parallel_loop3A_270 = arith.constant 64 : i32
        %parallel_loop3A_271 = arith.divsi %parallel_loop3A_269, %parallel_loop3A_270 : i32
        %parallel_loop3A_272 = arith.constant 0 : i32
        %parallel_loop3A_273 = arith.cmpi sgt, %parallel_loop3A_269, %parallel_loop3A_272 : i32
        %parallel_loop3A_274 = arith.extui %parallel_loop3A_273 : i1 to i32
        %parallel_loop3A_275 = arith.constant 0 : i32
        %parallel_loop3A_276 = arith.cmpi slt, %parallel_loop3A_269, %parallel_loop3A_275 : i32
        %parallel_loop3A_277 = arith.extui %parallel_loop3A_276 : i1 to i32
        %parallel_loop3A_278 = arith.subi %parallel_loop3A_274, %parallel_loop3A_277 : i32
        %parallel_loop3A_279 = arith.constant 0 : i32
        %parallel_loop3A_280 = arith.cmpi sgt, %parallel_loop3A_270, %parallel_loop3A_279 : i32
        %parallel_loop3A_281 = arith.extui %parallel_loop3A_280 : i1 to i32
        %parallel_loop3A_282 = arith.constant 0 : i32
        %parallel_loop3A_283 = arith.cmpi slt, %parallel_loop3A_270, %parallel_loop3A_282 : i32
        %parallel_loop3A_284 = arith.extui %parallel_loop3A_283 : i1 to i32
        %parallel_loop3A_285 = arith.subi %parallel_loop3A_281, %parallel_loop3A_284 : i32
        %parallel_loop3A_286 = arith.cmpi ne, %parallel_loop3A_278, %parallel_loop3A_285 : i32
        %parallel_loop3A_287 = arith.remsi %parallel_loop3A_269, %parallel_loop3A_270 : i32
        %parallel_loop3A_288 = arith.constant 0 : i32
        %parallel_loop3A_289 = arith.cmpi ne, %parallel_loop3A_287, %parallel_loop3A_288 : i32
        %parallel_loop3A_290 = arith.andi %parallel_loop3A_286, %parallel_loop3A_289 : i1
        %parallel_loop3A_291 = arith.constant 1 : i32
        %parallel_loop3A_292 = arith.subi %parallel_loop3A_271, %parallel_loop3A_291 : i32
        %parallel_loop3A_293 = arith.select %parallel_loop3A_290, %parallel_loop3A_292, %parallel_loop3A_271 : i32
        %parallel_loop3A_294 = arith.constant 64 : i32
        %parallel_loop3A_295 = arith.constant 0 : i32
        %parallel_loop3A_296 = arith.cmpi eq, %parallel_loop3A_294, %parallel_loop3A_295 : i32
        %parallel_loop3A_297 = arith.constant 1 : i32
        %parallel_loop3A_298 = arith.select %parallel_loop3A_296, %parallel_loop3A_297, %parallel_loop3A_294 : i32
        %parallel_loop3A_299 = arith.remsi %parallel_loop3A_269, %parallel_loop3A_298 : i32
        %parallel_loop3A_300 = arith.constant 0 : i32
        %parallel_loop3A_301 = arith.cmpi ne, %parallel_loop3A_299, %parallel_loop3A_300 : i32
        %parallel_loop3A_302 = arith.constant 0 : i32
        %parallel_loop3A_303 = arith.cmpi slt, %parallel_loop3A_299, %parallel_loop3A_302 : i32
        %parallel_loop3A_304 = arith.constant 0 : i32
        %parallel_loop3A_305 = arith.cmpi slt, %parallel_loop3A_298, %parallel_loop3A_304 : i32
        %parallel_loop3A_306 = arith.xori %parallel_loop3A_303, %parallel_loop3A_305 : i1
        %parallel_loop3A_307 = arith.andi %parallel_loop3A_306, %parallel_loop3A_301 : i1
        %parallel_loop3A_308 = arith.addi %parallel_loop3A_299, %parallel_loop3A_298 : i32
        %parallel_loop3A_309 = arith.select %parallel_loop3A_307, %parallel_loop3A_308, %parallel_loop3A_299 : i32
        %parallel_loop3A_310 = arith.constant 16 : i32
        %parallel_loop3A_311 = arith.muli %parallel_loop3A_309, %parallel_loop3A_310 : i32
        %parallel_loop3A_312 = arith.index_cast %parallel_loop3A_293 : i32 to index
        %parallel_loop3A_313 = arith.index_cast %parallel_loop3A_311 : i32 to index
        %parallel_loop3A_314 = tpu.vector_load %arg9[%parallel_loop3A_312, %parallel_loop3A_313] {strides = array<i32>} : memref<8x1024xf32, #tpu.memory_space<vmem>>, vector<1x16xf32>,
        %parallel_loop3A_315 = vector.shape_cast %parallel_loop3A_314 : vector<1x16xf32> to vector<16xf32>
        %parallel_loop3A_316 = arith.index_cast %parallel_loop3A_293 : i32 to index
        %parallel_loop3A_317 = arith.index_cast %parallel_loop3A_311 : i32 to index
        %parallel_loop3A_318 = tpu.vector_load %arg13[%parallel_loop3A_316, %parallel_loop3A_317] {strides = array<i32>} : memref<8x1024xf32, #tpu.memory_space<vmem>>, vector<1x16xf32>,
        %parallel_loop3A_319 = vector.shape_cast %parallel_loop3A_318 : vector<1x16xf32> to vector<16xf32>
        %parallel_loop3A_320 = arith.addf %parallel_loop3A_315, %parallel_loop3A_319 : vector<16xf32>
        %parallel_loop3A_321 = arith.index_cast %parallel_loop3A_293 : i32 to index
        %parallel_loop3A_322 = arith.index_cast %parallel_loop3A_311 : i32 to index
        %parallel_loop3A_323 = tpu.vector_load %arg17[%parallel_loop3A_321, %parallel_loop3A_322] {strides = array<i32>} : memref<8x1024xf32, #tpu.memory_space<vmem>>, vector<1x16xf32>,
        %parallel_loop3A_324 = vector.shape_cast %parallel_loop3A_323 : vector<1x16xf32> to vector<16xf32>
        %parallel_loop3A_325 = vector.shape_cast %parallel_loop3A_320 : vector<16xf32> to vector<1x16xf32>
        tpu.vector_store %arg17[%parallel_loop3A_321, %parallel_loop3A_322], %parallel_loop3A_325 {strides = array<i32>} : memref<8x1024xf32, #tpu.memory_space<vmem>>, vector<1x16xf32>,
      } {sc.loop_unroll_factor = 8 : i64, sc.parallel_access}
      %dma_start3A_216 = arith.constant 0 : i32
      %dma_start3A_217 = tpu.memref_slice %arg5[%select_n3A, %add3A_195, %dma_start3A_216] : memref<4x4096x1024xf32, #tpu.memory_space<hbm>> -> memref<1x8x1024xf32, #tpu.memory_space<hbm>>
      %dma_start3A_218 = tpu.memref_squeeze %dma_start3A_217 : memref<1x8x1024xf32, #tpu.memory_space<hbm>> -> memref<8x1024xf32, #tpu.memory_space<hbm>>
      %dma_start3A_219 = arith.constant 0 : i32
      %dma_start3A_220 = tpu.memref_slice %arg5[%select_n3A, %add3A_195, %dma_start3A_219] : memref<4x4096x1024xf32, #tpu.memory_space<hbm>> -> memref<1x8x1024xf32, #tpu.memory_space<hbm>>
      %dma_start3A_221 = tpu.memref_squeeze %dma_start3A_220 : memref<1x8x1024xf32, #tpu.memory_space<hbm>> -> memref<8x1024xf32, #tpu.memory_space<hbm>>
      tpu.enqueue_dma source(%arg17 : memref<8x1024xf32, #tpu.memory_space<vmem>>) target(%dma_start3A_221 : memref<8x1024xf32, #tpu.memory_space<hbm>>) target_semaphore(%arg29 : memref<!tpu.dma_semaphore, #tpu.memory_space<semaphore_mem>>)
      %add3A_222 = arith.constant 4 : i32
      %add3A_223 = arith.addi %add3A_192, %add3A_222 : i32
      %lt3A_224 = arith.constant 64 : i32
      %lt3A_225 = arith.cmpi slt, %add3A_223, %lt3A_224 : i32
      %convert_element_type3A_226 = arith.extui %lt3A_225 : i1 to i32
      %cond3A_227 = arith.constant 0 : i32
      %cond3A_228 = arith.cmpi ne, %convert_element_type3A_226, %cond3A_227 : i32
      scf.if %cond3A_228 {
        %add3A_269 = arith.constant 4 : i32
        %add3A_270 = arith.addi %add3A_192, %add3A_269 : i32
        %mul3A_271 = arith.constant 8 : i32
        %mul3A_272 = arith.muli %add3A_270, %mul3A_271 : i32
        %add3A_273 = arith.addi %mul3A_32, %mul3A_272 : i32
        %mul3A_274 = arith.constant 8 : i32
        %mul3A_275 = arith.muli %add3A_270, %mul3A_274 : i32
        %dma_start3A_276 = tpu.memref_slice %arg6[%mul3A_275] : memref<512xi32, #tpu.memory_space<vmem>> -> memref<8xi32, #tpu.memory_space<vmem>>
        %dma_start3A_277 = arith.constant 0 : i32
        %dma_start3A_278 = arith.constant 0 : i32
        %dma_start3A_279 = tpu.memref_slice %arg4[%dma_start3A_277, %dma_start3A_278] : memref<8192x1024xf32, #tpu.memory_space<hbm>> -> memref<8192x1024xf32, #tpu.memory_space<hbm>>
        tpu.enqueue_indirect_dma source(%dma_start3A_279 : memref<8192x1024xf32, #tpu.memory_space<hbm>>) target(%arg13 : memref<8x1024xf32, #tpu.memory_space<vmem>>) offsets(%dma_start3A_276 : memref<8xi32, #tpu.memory_space<vmem>>) semaphore(%arg25 : memref<!tpu.dma_semaphore, #tpu.memory_space<semaphore_mem>>)
        %dma_start3A_280 = arith.constant 0 : i32
        %dma_start3A_281 = tpu.memref_slice %arg2[%select_n3A, %add3A_273, %dma_start3A_280] : memref<4x4096x1024xf32, #tpu.memory_space<hbm>> -> memref<1x8x1024xf32, #tpu.memory_space<hbm>>
        %dma_start3A_282 = tpu.memref_squeeze %dma_start3A_281 : memref<1x8x1024xf32, #tpu.memory_space<hbm>> -> memref<8x1024xf32, #tpu.memory_space<hbm>>
        %dma_start3A_283 = arith.constant 0 : i32
        %dma_start3A_284 = tpu.memref_slice %arg2[%select_n3A, %add3A_273, %dma_start3A_283] : memref<4x4096x1024xf32, #tpu.memory_space<hbm>> -> memref<1x8x1024xf32, #tpu.memory_space<hbm>>
        %dma_start3A_285 = tpu.memref_squeeze %dma_start3A_284 : memref<1x8x1024xf32, #tpu.memory_space<hbm>> -> memref<8x1024xf32, #tpu.memory_space<hbm>>
        tpu.enqueue_dma source(%dma_start3A_285 : memref<8x1024xf32, #tpu.memory_space<hbm>>) target(%arg9 : memref<8x1024xf32, #tpu.memory_space<vmem>>) target_semaphore(%arg21 : memref<!tpu.dma_semaphore, #tpu.memory_space<semaphore_mem>>)
      } else {
      }
      %mul3A_229 = arith.constant 4 : i32
      %mul3A_230 = arith.muli %scan3A_112, %mul3A_229 : i32
      %add3A_231 = arith.constant 3 : i32
      %add3A_232 = arith.addi %mul3A_230, %add3A_231 : i32
      %mul3A_233 = arith.constant 8 : i32
      %mul3A_234 = arith.muli %add3A_232, %mul3A_233 : i32
      %add3A_235 = arith.addi %mul3A_32, %mul3A_234 : i32
      %dma_wait3A_236 = arith.constant 0 : i32
      %dma_wait3A_237 = tpu.memref_slice %arg2[%select_n3A, %add3A_235, %dma_wait3A_236] : memref<4x4096x1024xf32, #tpu.memory_space<hbm>> -> memref<1x8x1024xf32, #tpu.memory_space<hbm>>
      %dma_wait3A_238 = tpu.memref_squeeze %dma_wait3A_237 : memref<1x8x1024xf32, #tpu.memory_space<hbm>> -> memref<8x1024xf32, #tpu.memory_space<hbm>>
      %dma_wait3A_239 = arith.constant 0 : i32
      %dma_wait3A_240 = tpu.memref_slice %arg2[%select_n3A, %add3A_235, %dma_wait3A_239] : memref<4x4096x1024xf32, #tpu.memory_space<hbm>> -> memref<1x8x1024xf32, #tpu.memory_space<hbm>>
      %dma_wait3A_241 = tpu.memref_squeeze %dma_wait3A_240 : memref<1x8x1024xf32, #tpu.memory_space<hbm>> -> memref<8x1024xf32, #tpu.memory_space<hbm>>
      tpu.wait_dma2 semaphore(%arg26 : memref<!tpu.dma_semaphore, #tpu.memory_space<semaphore_mem>>) src(%dma_wait3A_241 : memref<8x1024xf32, #tpu.memory_space<hbm>>) dst(%arg14 : memref<8x1024xf32, #tpu.memory_space<vmem>>)
      %dma_wait3A_242 = arith.constant 0 : i32
      %dma_wait3A_243 = tpu.memref_slice %arg2[%select_n3A, %add3A_235, %dma_wait3A_242] : memref<4x4096x1024xf32, #tpu.memory_space<hbm>> -> memref<1x8x1024xf32, #tpu.memory_space<hbm>>
      %dma_wait3A_244 = tpu.memref_squeeze %dma_wait3A_243 : memref<1x8x1024xf32, #tpu.memory_space<hbm>> -> memref<8x1024xf32, #tpu.memory_space<hbm>>
      %dma_wait3A_245 = arith.constant 0 : i32
      %dma_wait3A_246 = tpu.memref_slice %arg2[%select_n3A, %add3A_235, %dma_wait3A_245] : memref<4x4096x1024xf32, #tpu.memory_space<hbm>> -> memref<1x8x1024xf32, #tpu.memory_space<hbm>>
      %dma_wait3A_247 = tpu.memref_squeeze %dma_wait3A_246 : memref<1x8x1024xf32, #tpu.memory_space<hbm>> -> memref<8x1024xf32, #tpu.memory_space<hbm>>
      tpu.wait_dma2 semaphore(%arg22 : memref<!tpu.dma_semaphore, #tpu.memory_space<semaphore_mem>>) src(%dma_wait3A_247 : memref<8x1024xf32, #tpu.memory_space<hbm>>) dst(%arg10 : memref<8x1024xf32, #tpu.memory_space<vmem>>)
      %ge3A_248 = arith.constant 4 : i32
      %ge3A_249 = arith.cmpi sge, %add3A_232, %ge3A_248 : i32
      %convert_element_type3A_250 = arith.extui %ge3A_249 : i1 to i32
      %cond3A_251 = arith.constant 0 : i32
      %cond3A_252 = arith.cmpi ne, %convert_element_type3A_250, %cond3A_251 : i32
      scf.if %cond3A_252 {
        %dma_wait3A_269 = arith.constant 0 : i32
        %dma_wait3A_270 = tpu.memref_slice %arg5[%select_n3A, %add3A_235, %dma_wait3A_269] : memref<4x4096x1024xf32, #tpu.memory_space<hbm>> -> memref<1x8x1024xf32, #tpu.memory_space<hbm>>
        %dma_wait3A_271 = tpu.memref_squeeze %dma_wait3A_270 : memref<1x8x1024xf32, #tpu.memory_space<hbm>> -> memref<8x1024xf32, #tpu.memory_space<hbm>>
        %dma_wait3A_272 = arith.constant 0 : i32
        %dma_wait3A_273 = tpu.memref_slice %arg5[%select_n3A, %add3A_235, %dma_wait3A_272] : memref<4x4096x1024xf32, #tpu.memory_space<hbm>> -> memref<1x8x1024xf32, #tpu.memory_space<hbm>>
        %dma_wait3A_274 = tpu.memref_squeeze %dma_wait3A_273 : memref<1x8x1024xf32, #tpu.memory_space<hbm>> -> memref<8x1024xf32, #tpu.memory_space<hbm>>
        tpu.wait_dma2 semaphore(%arg30 : memref<!tpu.dma_semaphore, #tpu.memory_space<semaphore_mem>>) src(%arg18 : memref<8x1024xf32, #tpu.memory_space<vmem>>) dst(%dma_wait3A_274 : memref<8x1024xf32, #tpu.memory_space<hbm>>)
      } else {
      }
      %parallel_loop3A_253 = arith.constant 0 : i32
      %parallel_loop3A_254 = arith.constant 512 : i32
      %parallel_loop3A_255 = arith.constant 1 : i32
      scf.for %parallel_loop3A_269 = %parallel_loop3A_253 to %parallel_loop3A_254 step %parallel_loop3A_255  : i32 {
        %parallel_loop3A_270 = arith.constant 64 : i32
        %parallel_loop3A_271 = arith.divsi %parallel_loop3A_269, %parallel_loop3A_270 : i32
        %parallel_loop3A_272 = arith.constant 0 : i32
        %parallel_loop3A_273 = arith.cmpi sgt, %parallel_loop3A_269, %parallel_loop3A_272 : i32
        %parallel_loop3A_274 = arith.extui %parallel_loop3A_273 : i1 to i32
        %parallel_loop3A_275 = arith.constant 0 : i32
        %parallel_loop3A_276 = arith.cmpi slt, %parallel_loop3A_269, %parallel_loop3A_275 : i32
        %parallel_loop3A_277 = arith.extui %parallel_loop3A_276 : i1 to i32
        %parallel_loop3A_278 = arith.subi %parallel_loop3A_274, %parallel_loop3A_277 : i32
        %parallel_loop3A_279 = arith.constant 0 : i32
        %parallel_loop3A_280 = arith.cmpi sgt, %parallel_loop3A_270, %parallel_loop3A_279 : i32
        %parallel_loop3A_281 = arith.extui %parallel_loop3A_280 : i1 to i32
        %parallel_loop3A_282 = arith.constant 0 : i32
        %parallel_loop3A_283 = arith.cmpi slt, %parallel_loop3A_270, %parallel_loop3A_282 : i32
        %parallel_loop3A_284 = arith.extui %parallel_loop3A_283 : i1 to i32
        %parallel_loop3A_285 = arith.subi %parallel_loop3A_281, %parallel_loop3A_284 : i32
        %parallel_loop3A_286 = arith.cmpi ne, %parallel_loop3A_278, %parallel_loop3A_285 : i32
        %parallel_loop3A_287 = arith.remsi %parallel_loop3A_269, %parallel_loop3A_270 : i32
        %parallel_loop3A_288 = arith.constant 0 : i32
        %parallel_loop3A_289 = arith.cmpi ne, %parallel_loop3A_287, %parallel_loop3A_288 : i32
        %parallel_loop3A_290 = arith.andi %parallel_loop3A_286, %parallel_loop3A_289 : i1
        %parallel_loop3A_291 = arith.constant 1 : i32
        %parallel_loop3A_292 = arith.subi %parallel_loop3A_271, %parallel_loop3A_291 : i32
        %parallel_loop3A_293 = arith.select %parallel_loop3A_290, %parallel_loop3A_292, %parallel_loop3A_271 : i32
        %parallel_loop3A_294 = arith.constant 64 : i32
        %parallel_loop3A_295 = arith.constant 0 : i32
        %parallel_loop3A_296 = arith.cmpi eq, %parallel_loop3A_294, %parallel_loop3A_295 : i32
        %parallel_loop3A_297 = arith.constant 1 : i32
        %parallel_loop3A_298 = arith.select %parallel_loop3A_296, %parallel_loop3A_297, %parallel_loop3A_294 : i32
        %parallel_loop3A_299 = arith.remsi %parallel_loop3A_269, %parallel_loop3A_298 : i32
        %parallel_loop3A_300 = arith.constant 0 : i32
        %parallel_loop3A_301 = arith.cmpi ne, %parallel_loop3A_299, %parallel_loop3A_300 : i32
        %parallel_loop3A_302 = arith.constant 0 : i32
        %parallel_loop3A_303 = arith.cmpi slt, %parallel_loop3A_299, %parallel_loop3A_302 : i32
        %parallel_loop3A_304 = arith.constant 0 : i32
        %parallel_loop3A_305 = arith.cmpi slt, %parallel_loop3A_298, %parallel_loop3A_304 : i32
        %parallel_loop3A_306 = arith.xori %parallel_loop3A_303, %parallel_loop3A_305 : i1
        %parallel_loop3A_307 = arith.andi %parallel_loop3A_306, %parallel_loop3A_301 : i1
        %parallel_loop3A_308 = arith.addi %parallel_loop3A_299, %parallel_loop3A_298 : i32
        %parallel_loop3A_309 = arith.select %parallel_loop3A_307, %parallel_loop3A_308, %parallel_loop3A_299 : i32
        %parallel_loop3A_310 = arith.constant 16 : i32
        %parallel_loop3A_311 = arith.muli %parallel_loop3A_309, %parallel_loop3A_310 : i32
        %parallel_loop3A_312 = arith.index_cast %parallel_loop3A_293 : i32 to index
        %parallel_loop3A_313 = arith.index_cast %parallel_loop3A_311 : i32 to index
        %parallel_loop3A_314 = tpu.vector_load %arg10[%parallel_loop3A_312, %parallel_loop3A_313] {strides = array<i32>} : memref<8x1024xf32, #tpu.memory_space<vmem>>, vector<1x16xf32>,
        %parallel_loop3A_315 = vector.shape_cast %parallel_loop3A_314 : vector<1x16xf32> to vector<16xf32>
        %parallel_loop3A_316 = arith.index_cast %parallel_loop3A_293 : i32 to index
        %parallel_loop3A_317 = arith.index_cast %parallel_loop3A_311 : i32 to index
        %parallel_loop3A_318 = tpu.vector_load %arg14[%parallel_loop3A_316, %parallel_loop3A_317] {strides = array<i32>} : memref<8x1024xf32, #tpu.memory_space<vmem>>, vector<1x16xf32>,
        %parallel_loop3A_319 = vector.shape_cast %parallel_loop3A_318 : vector<1x16xf32> to vector<16xf32>
        %parallel_loop3A_320 = arith.addf %parallel_loop3A_315, %parallel_loop3A_319 : vector<16xf32>
        %parallel_loop3A_321 = arith.index_cast %parallel_loop3A_293 : i32 to index
        %parallel_loop3A_322 = arith.index_cast %parallel_loop3A_311 : i32 to index
        %parallel_loop3A_323 = tpu.vector_load %arg18[%parallel_loop3A_321, %parallel_loop3A_322] {strides = array<i32>} : memref<8x1024xf32, #tpu.memory_space<vmem>>, vector<1x16xf32>,
        %parallel_loop3A_324 = vector.shape_cast %parallel_loop3A_323 : vector<1x16xf32> to vector<16xf32>
        %parallel_loop3A_325 = vector.shape_cast %parallel_loop3A_320 : vector<16xf32> to vector<1x16xf32>
        tpu.vector_store %arg18[%parallel_loop3A_321, %parallel_loop3A_322], %parallel_loop3A_325 {strides = array<i32>} : memref<8x1024xf32, #tpu.memory_space<vmem>>, vector<1x16xf32>,
      } {sc.loop_unroll_factor = 8 : i64, sc.parallel_access}
      %dma_start3A_256 = arith.constant 0 : i32
      %dma_start3A_257 = tpu.memref_slice %arg5[%select_n3A, %add3A_235, %dma_start3A_256] : memref<4x4096x1024xf32, #tpu.memory_space<hbm>> -> memref<1x8x1024xf32, #tpu.memory_space<hbm>>
      %dma_start3A_258 = tpu.memref_squeeze %dma_start3A_257 : memref<1x8x1024xf32, #tpu.memory_space<hbm>> -> memref<8x1024xf32, #tpu.memory_space<hbm>>
      %dma_start3A_259 = arith.constant 0 : i32
      %dma_start3A_260 = tpu.memref_slice %arg5[%select_n3A, %add3A_235, %dma_start3A_259] : memref<4x4096x1024xf32, #tpu.memory_space<hbm>> -> memref<1x8x1024xf32, #tpu.memory_space<hbm>>
      %dma_start3A_261 = tpu.memref_squeeze %dma_start3A_260 : memref<1x8x1024xf32, #tpu.memory_space<hbm>> -> memref<8x1024xf32, #tpu.memory_space<hbm>>
      tpu.enqueue_dma source(%arg18 : memref<8x1024xf32, #tpu.memory_space<vmem>>) target(%dma_start3A_261 : memref<8x1024xf32, #tpu.memory_space<hbm>>) target_semaphore(%arg30 : memref<!tpu.dma_semaphore, #tpu.memory_space<semaphore_mem>>)
      %add3A_262 = arith.constant 4 : i32
      %add3A_263 = arith.addi %add3A_232, %add3A_262 : i32
      %lt3A_264 = arith.constant 64 : i32
      %lt3A_265 = arith.cmpi slt, %add3A_263, %lt3A_264 : i32
      %convert_element_type3A_266 = arith.extui %lt3A_265 : i1 to i32
      %cond3A_267 = arith.constant 0 : i32
      %cond3A_268 = arith.cmpi ne, %convert_element_type3A_266, %cond3A_267 : i32
      scf.if %cond3A_268 {
        %add3A_269 = arith.constant 4 : i32
        %add3A_270 = arith.addi %add3A_232, %add3A_269 : i32
        %mul3A_271 = arith.constant 8 : i32
        %mul3A_272 = arith.muli %add3A_270, %mul3A_271 : i32
        %add3A_273 = arith.addi %mul3A_32, %mul3A_272 : i32
        %mul3A_274 = arith.constant 8 : i32
        %mul3A_275 = arith.muli %add3A_270, %mul3A_274 : i32
        %dma_start3A_276 = tpu.memref_slice %arg6[%mul3A_275] : memref<512xi32, #tpu.memory_space<vmem>> -> memref<8xi32, #tpu.memory_space<vmem>>
        %dma_start3A_277 = arith.constant 0 : i32
        %dma_start3A_278 = arith.constant 0 : i32
        %dma_start3A_279 = tpu.memref_slice %arg4[%dma_start3A_277, %dma_start3A_278] : memref<8192x1024xf32, #tpu.memory_space<hbm>> -> memref<8192x1024xf32, #tpu.memory_space<hbm>>
        tpu.enqueue_indirect_dma source(%dma_start3A_279 : memref<8192x1024xf32, #tpu.memory_space<hbm>>) target(%arg14 : memref<8x1024xf32, #tpu.memory_space<vmem>>) offsets(%dma_start3A_276 : memref<8xi32, #tpu.memory_space<vmem>>) semaphore(%arg26 : memref<!tpu.dma_semaphore, #tpu.memory_space<semaphore_mem>>)
        %dma_start3A_280 = arith.constant 0 : i32
        %dma_start3A_281 = tpu.memref_slice %arg2[%select_n3A, %add3A_273, %dma_start3A_280] : memref<4x4096x1024xf32, #tpu.memory_space<hbm>> -> memref<1x8x1024xf32, #tpu.memory_space<hbm>>
        %dma_start3A_282 = tpu.memref_squeeze %dma_start3A_281 : memref<1x8x1024xf32, #tpu.memory_space<hbm>> -> memref<8x1024xf32, #tpu.memory_space<hbm>>
        %dma_start3A_283 = arith.constant 0 : i32
        %dma_start3A_284 = tpu.memref_slice %arg2[%select_n3A, %add3A_273, %dma_start3A_283] : memref<4x4096x1024xf32, #tpu.memory_space<hbm>> -> memref<1x8x1024xf32, #tpu.memory_space<hbm>>
        %dma_start3A_285 = tpu.memref_squeeze %dma_start3A_284 : memref<1x8x1024xf32, #tpu.memory_space<hbm>> -> memref<8x1024xf32, #tpu.memory_space<hbm>>
        tpu.enqueue_dma source(%dma_start3A_285 : memref<8x1024xf32, #tpu.memory_space<hbm>>) target(%arg10 : memref<8x1024xf32, #tpu.memory_space<vmem>>) target_semaphore(%arg22 : memref<!tpu.dma_semaphore, #tpu.memory_space<semaphore_mem>>)
      } else {
      }
    }
    %scan3A_88 = arith.constant 16 : i32
    %dma_wait3A = arith.constant 0 : i32
    %dma_wait3A_89 = tpu.memref_slice %arg5[%select_n3A, %mul3A_32, %dma_wait3A] : memref<4x4096x1024xf32, #tpu.memory_space<hbm>> -> memref<1x8x1024xf32, #tpu.memory_space<hbm>>
    %dma_wait3A_90 = tpu.memref_squeeze %dma_wait3A_89 : memref<1x8x1024xf32, #tpu.memory_space<hbm>> -> memref<8x1024xf32, #tpu.memory_space<hbm>>
    %dma_wait3A_91 = arith.constant 0 : i32
    %dma_wait3A_92 = tpu.memref_slice %arg5[%select_n3A, %mul3A_32, %dma_wait3A_91] : memref<4x4096x1024xf32, #tpu.memory_space<hbm>> -> memref<1x8x1024xf32, #tpu.memory_space<hbm>>
    %dma_wait3A_93 = tpu.memref_squeeze %dma_wait3A_92 : memref<1x8x1024xf32, #tpu.memory_space<hbm>> -> memref<8x1024xf32, #tpu.memory_space<hbm>>
    tpu.wait_dma2 semaphore(%arg27 : memref<!tpu.dma_semaphore, #tpu.memory_space<semaphore_mem>>) src(%arg15 : memref<8x1024xf32, #tpu.memory_space<vmem>>) dst(%dma_wait3A_93 : memref<8x1024xf32, #tpu.memory_space<hbm>>)
    %dma_wait3A_94 = arith.constant 0 : i32
    %dma_wait3A_95 = tpu.memref_slice %arg5[%select_n3A, %mul3A_32, %dma_wait3A_94] : memref<4x4096x1024xf32, #tpu.memory_space<hbm>> -> memref<1x8x1024xf32, #tpu.memory_space<hbm>>
    %dma_wait3A_96 = tpu.memref_squeeze %dma_wait3A_95 : memref<1x8x1024xf32, #tpu.memory_space<hbm>> -> memref<8x1024xf32, #tpu.memory_space<hbm>>
    %dma_wait3A_97 = arith.constant 0 : i32
    %dma_wait3A_98 = tpu.memref_slice %arg5[%select_n3A, %mul3A_32, %dma_wait3A_97] : memref<4x4096x1024xf32, #tpu.memory_space<hbm>> -> memref<1x8x1024xf32, #tpu.memory_space<hbm>>
    %dma_wait3A_99 = tpu.memref_squeeze %dma_wait3A_98 : memref<1x8x1024xf32, #tpu.memory_space<hbm>> -> memref<8x1024xf32, #tpu.memory_space<hbm>>
    tpu.wait_dma2 semaphore(%arg28 : memref<!tpu.dma_semaphore, #tpu.memory_space<semaphore_mem>>) src(%arg16 : memref<8x1024xf32, #tpu.memory_space<vmem>>) dst(%dma_wait3A_99 : memref<8x1024xf32, #tpu.memory_space<hbm>>)
    %dma_wait3A_100 = arith.constant 0 : i32
    %dma_wait3A_101 = tpu.memref_slice %arg5[%select_n3A, %mul3A_32, %dma_wait3A_100] : memref<4x4096x1024xf32, #tpu.memory_space<hbm>> -> memref<1x8x1024xf32, #tpu.memory_space<hbm>>
    %dma_wait3A_102 = tpu.memref_squeeze %dma_wait3A_101 : memref<1x8x1024xf32, #tpu.memory_space<hbm>> -> memref<8x1024xf32, #tpu.memory_space<hbm>>
    %dma_wait3A_103 = arith.constant 0 : i32
    %dma_wait3A_104 = tpu.memref_slice %arg5[%select_n3A, %mul3A_32, %dma_wait3A_103] : memref<4x4096x1024xf32, #tpu.memory_space<hbm>> -> memref<1x8x1024xf32, #tpu.memory_space<hbm>>
    %dma_wait3A_105 = tpu.memref_squeeze %dma_wait3A_104 : memref<1x8x1024xf32, #tpu.memory_space<hbm>> -> memref<8x1024xf32, #tpu.memory_space<hbm>>
    tpu.wait_dma2 semaphore(%arg29 : memref<!tpu.dma_semaphore, #tpu.memory_space<semaphore_mem>>) src(%arg17 : memref<8x1024xf32, #tpu.memory_space<vmem>>) dst(%dma_wait3A_105 : memref<8x1024xf32, #tpu.memory_space<hbm>>)
    %dma_wait3A_106 = arith.constant 0 : i32
    %dma_wait3A_107 = tpu.memref_slice %arg5[%select_n3A, %mul3A_32, %dma_wait3A_106] : memref<4x4096x1024xf32, #tpu.memory_space<hbm>> -> memref<1x8x1024xf32, #tpu.memory_space<hbm>>
    %dma_wait3A_108 = tpu.memref_squeeze %dma_wait3A_107 : memref<1x8x1024xf32, #tpu.memory_space<hbm>> -> memref<8x1024xf32, #tpu.memory_space<hbm>>
    %dma_wait3A_109 = arith.constant 0 : i32
    %dma_wait3A_110 = tpu.memref_slice %arg5[%select_n3A, %mul3A_32, %dma_wait3A_109] : memref<4x4096x1024xf32, #tpu.memory_space<hbm>> -> memref<1x8x1024xf32, #tpu.memory_space<hbm>>
    %dma_wait3A_111 = tpu.memref_squeeze %dma_wait3A_110 : memref<1x8x1024xf32, #tpu.memory_space<hbm>> -> memref<8x1024xf32, #tpu.memory_space<hbm>>
    tpu.wait_dma2 semaphore(%arg30 : memref<!tpu.dma_semaphore, #tpu.memory_space<semaphore_mem>>) src(%arg18 : memref<8x1024xf32, #tpu.memory_space<vmem>>) dst(%dma_wait3A_111 : memref<8x1024xf32, #tpu.memory_space<hbm>>)
    return
  }
}

</mosaic_0001>

<sc_bundles>
// kernel: kernel.3.cloned.1.call-start
scs
__scs_entry_jumppad:
0x0: {  	(pc) =	sbr.rel $0x88, $3  }
0x1: {  	(tag) =	ssettag $0x0;
	lr =	simm.s32 $0x1  }
0x2: {  	[smem:$0x3F9E] =	sst lr;
	_ =	strace $0xD0000000  }
0x3: {  	_ = 	snop  }
0x4: {  	_ = 	snop  }
0x5: {  	_ = 	snop  }
0x6: {  	_ = 	snop  }
0x7: {  	_ = 	snop  }
__scs_overlays_trampoline_lowered:
0x8: {  	[smem:$0x3FAD] =	sst s0  }
0x9: {  	[smem:$0x3FAE] =	sst s1  }
0xa: {  	[smem:$0x3FAF] =	sst s2  }
0xb: {  	[smem:$0x3FB0] =	sst s3  }
0xc: {  	[smem:$0x3FB1] =	sst s4  }
0xd: {  	[smem:$0x3FB2] =	sst s5  }
0xe: {  	[smem:$0x3FB3] =	sst s6  }
0xf: {  	[smem:$0x3FB4] =	sst s7  }
0x10: {  	[smem:$0x3FB5] =	sst s8  }
0x11: {  	[smem:$0x3FB6] =	sst s9;
	s0 =	simm.s32 @!p0 $0x0  }
0x12: {  	s1 =	sld [smem:$0x3F9C];
	s0 =	simm.s32 @p0 $0x1  }
0x13: {  	[smem:$0x3FB7] =	sst s0;
	s0 =	simm.s32 @!p1 $0x0  }
0x14: {  	s2 =	sld [smem:$0x3F9B];
	s0 =	simm.s32 @p1 $0x1  }
0x15: {  	[smem:$0x3FB8] =	sst s0;
	s0 =	simm.s32 @!p2 $0x0  }
0x16: {  	s3 =	sld [smem:$0x3FDB];
	s0 =	simm.s32 @p2 $0x1  }
0x17: {  	s4 =	simm.s32 $0x1BF5;
	[smem:$0x3FBA] =	sst s0  }
0x18: {  	s0 =	sld [smem:$0x3F9D];
	_ =	swait.ge [sflag:s4], $0x0  }
0x19: {  	s7 =	sld [smem:$0x3F9E]  }
0x1a: {  	s8 =	sadd.s32 $0xFFFFE003, lr  }
0x1b: {  	s9 =	sadd.s32 $0xFFFFFEF7, lr;
	s5 =	simm.s32 $0xFFFFFFFF;
	p2 =	slt.u32 s8, $0xFFFFF086  }
0x1c: {  	p1 =	slt.u32 s9, $0xF7A;
	s5 =	simm.s32 @!p2 $0x0  }
0x1d: {  	s5 =	simm.s32 @p1 $0x1;
	p0 =	seq.s32 s7, s2  }
0x1e: {  	s7 =	smul.u32 @!p0 $0xF7A, s2;
	p2 =	seq.s32 @!p0 s5, $0x0  }
0x1f: {  	s9 =	smul.u32 $0xF7A, s1;
	s8 =	simm.s32 @!p0 $0x1BF5;
	p2 =	por !p2, p0  }
0x20: {  	[sflag:s8] =	ssyncset.s32 @!p0 $0xFFFFF086;
	s6 =	sadd.s32 @!p0 s3, s7;
	s7 =	simm.s32 @!p0 $0x108  }
0x21: {  	s3 =	sadd.s32 s3, s9;
	s6 =	sadd.s32 @!p0 $0x88, s6;
	s7 =	simm.s32 @p2 $0x1082  }
0x22: {  	[simem:s7], [sflag:s8] =	dma.local @!p0 [hbm:s6], $0xF7A  }
0x23: {  	s9 =	sor.u32 $0xD0000000, s2;
	s6 =	simm.s32 $0x108;
	_ =	swait.ge @!p0 [sflag:s8], $0x0  }
0x24: {  	s3 =	sadd.s32 $0x88, s3;
	s6 =	simm.s32 @!p1 $0x1082;
	[sflag:s4] =	ssyncset.s32 $0xFFFFF086  }
0x25: {  	[simem:s6], [sflag:s4] =	dma.local [hbm:s3], $0xF7A  }
0x26: {  	[smem:$0x3F9E] =	sst s1;
	(tag) =	ssettag s2;
	_ =	strace s9  }
0x27: {  	s1 =	sld [smem:$0x3FAE]  }
0x28: {  	s2 =	sld [smem:$0x3FAF]  }
0x29: {  	s4 =	sld [smem:$0x3FB1]  }
0x2a: {  	p0 =	seq.s32 s5, $0x0;
	s5 =	sld [smem:$0x3FB2]  }
0x2b: {  	s6 =	sld [smem:$0x3FB3]  }
0x2c: {  	s7 =	sld [smem:$0x3FB4]  }
0x2d: {  	s3 =	simm.s32 $0x108;
	s8 =	sld [smem:$0x3FB5]  }
0x2e: {  	s3 =	simm.s32 @!p0 $0x1082;
	s9 =	sld [smem:$0x3FB6]  }
0x2f: {  	lr =	sadd.s32 s0, s3;
	s0 =	sld [smem:$0x3FAD]  }
0x30: {  	s3 =	sld [smem:$0x3FB0]  }
0x31: {  	[smem:$0x3FB9] =	sst s10  }
0x32: {  	s10 =	sld [smem:$0x3FB7];
	_ =	sdelay $0x3  }
0x33: {  	p0 =	seq.s32 s10, $0x1;
	s10 =	sld [smem:$0x3FB9];
	_ =	sdelay $0x3  }
0x34: {  	[smem:$0x3FB9] =	sst s10  }
0x35: {  	s10 =	sld [smem:$0x3FB8];
	_ =	sdelay $0x3  }
0x36: {  	p1 =	seq.s32 s10, $0x1;
	s10 =	sld [smem:$0x3FB9];
	_ =	sdelay $0x3  }
0x37: {  	[smem:$0x3FB9] =	sst s10  }
0x38: {  	s10 =	sld [smem:$0x3FBA]  }
0x39: {  	_ = 	snop;
	(pc) =	sbr.ind lr, $3  }
0x3a: {  	_ = 	snop  }
0x3b: {  	_ = 	snop  }
0x3c: {  	p2 =	seq.s32 s10, $0x1;
	s10 =	sld [smem:$0x3FB9]  }
0x3d: {  	_ =	shalt  }
0x3e: {  	_ =	shalt  }
0x3f: {  	_ =	shalt  }
0x40: {  	_ =	shalt  }
0x41: {  	_ =	shalt  }
0x42: {  	_ =	shalt  }
0x43: {  	_ =	shalt  }
0x44: {  	_ =	shalt  }
0x45: {  	_ =	shalt  }
0x46: {  	_ =	shalt  }
0x47: {  	_ =	shalt  }
0x48: {  	_ =	shalt  }
0x49: {  	_ =	shalt  }
0x4a: {  	_ =	shalt  }
0x4b: {  	_ =	shalt  }
0x4c: {  	_ =	shalt  }
0x4d: {  	_ =	shalt  }
0x4e: {  	_ =	shalt  }
0x4f: {  	_ =	shalt  }
0x50: {  	_ =	shalt  }
0x51: {  	_ =	shalt  }
0x52: {  	_ =	shalt  }
0x53: {  	_ =	shalt  }
0x54: {  	_ =	shalt  }
0x55: {  	_ =	shalt  }
0x56: {  	_ =	shalt  }
0x57: {  	_ =	shalt  }
0x58: {  	_ =	shalt  }
0x59: {  	_ =	shalt  }
0x5a: {  	_ =	shalt  }
0x5b: {  	_ =	shalt  }
0x5c: {  	_ =	shalt  }
0x5d: {  	_ =	shalt  }
0x5e: {  	_ =	shalt  }
0x5f: {  	_ =	shalt  }
0x60: {  	_ =	shalt  }
0x61: {  	_ =	shalt  }
0x62: {  	_ =	shalt  }
0x63: {  	_ =	shalt  }
0x64: {  	_ =	shalt  }
0x65: {  	_ =	shalt  }
0x66: {  	_ =	shalt  }
0x67: {  	_ =	shalt  }
0x68: {  	_ =	shalt  }
0x69: {  	_ =	shalt  }
0x6a: {  	_ =	shalt  }
0x6b: {  	_ =	shalt  }
0x6c: {  	_ =	shalt  }
0x6d: {  	_ =	shalt  }
0x6e: {  	_ =	shalt  }
0x6f: {  	_ =	shalt  }
0x70: {  	_ =	shalt  }
0x71: {  	_ =	shalt  }
0x72: {  	_ =	shalt  }
0x73: {  	_ =	shalt  }
0x74: {  	_ =	shalt  }
0x75: {  	_ =	shalt  }
0x76: {  	_ =	shalt  }
0x77: {  	_ =	shalt  }
0x78: {  	_ =	shalt  }
0x79: {  	_ =	shalt  }
0x7a: {  	_ =	shalt  }
0x7b: {  	_ =	shalt  }
0x7c: {  	_ =	shalt  }
0x7d: {  	_ =	shalt  }
0x7e: {  	_ =	shalt  }
0x7f: {  	_ =	shalt  }
0x80: {  	_ =	shalt  }
0x81: {  	_ =	shalt  }
0x82: {  	_ =	shalt  }
0x83: {  	_ =	shalt  }
0x84: {  	_ =	shalt  }
0x85: {  	_ =	shalt  }
0x86: {  	_ =	shalt  }
0x87: {  	_ =	shalt  }
.Lfunc_end0:
.L_simem_size_0:
called_computation_lowered:
.L_overlay_start_0:
0x88: {  	s2 =	sld [smem:$0x3FD9]  }
0x89: {  	s3 =	sld [smem:$0x3FFE];
	_ =	sdelay $0x1  }
0x8a: {  	s1 =	srdreg.scid  }
0x8b: {  	s0 =	sand.u32 $0x1, s1  }
0x8c: {  	s18 =	sshll.u32 s0, $0xA;
	s2 =	sadd.s32 s3, s2  }
0x8d: {  	s2 =	sadd.s32 s2, s18  }
0x8e: {  	[smem:$0x3FC5] =	sst s2  }
0x8f: {  	_ = 	snop  }
0x90: {  	s2 =	sld [smem:$0x3FC9]  }
0x91: {  	s19 =	sld [smem:$0x3FC8]  }
0x92: {  	s4 =	sld [smem:$0x3FC7]  }
0x93: {  	s5 =	sld [smem:$0x3FD0];
	(tm) =	ssettm $0x1  }
0x94: {  	s6 =	sld [smem:$0x3FFB];
	_ =	sdelay $0x3  }
0x95: {  	_ =	strace s6  }
0x96: {  	s6 =	sld [smem:$0x3FFC];
	_ =	sdelay $0x3  }
0x97: {  	_ =	strace s6  }
0x98: {  	s6 =	sld [smem:$0x3FFD];
	_ =	sdelay $0x3  }
0x99: {  	_ =	strace s6  }
0x9a: {  	_ =	strace $0x8FFFFFFF  }
0x9b: {  	s20 =	sld [smem:$0x3FDB];
	_ =	sdelay $0x1  }
0x9c: {  	s7 =	simm.s32 $_scs_section_size  }
0x9d: {  	s8 =	simm.s32 $_size__tile_overlayer_lowered;
	s9 =	simm.s32 $_tile_overlayer_lowered  }
0x9e: {  	s23 =	simm.s32 $0x1BFF;
	s22 =	sshll.u32 s9, $0x1;
	s6 =	sadd.s32 s7, s20  }
0x9f: {  	s10 =	simm.s32 $0x0;
	s21 =	sshll.u32 s8, $0x1;
	s8 =	sadd.s32 s22, s6  }
0xa0: {  	[timem:s10], [sflag:s23] =	dma.local [hbm:s8], s21  }
0xa1: {  	_ =	swait.ge [sflag:s23], s21  }
0xa2: {  	s7 =	ssub.s32 $0x0, s21;
	[sflag:s23] =	ssyncset.done $0x0  }
0xa3: {  	[sflag:s23] =	ssyncadd.s32 s7;
	_ =	sdelay $0x1  }
0xa4: {  	s24 =	simm.s32 $0x1B8B  }
0xa5: {  	_ =	swait.ge [sflag:s24], $0x1  }
0xa6: {  	[sflag:s24] =	ssyncset.done $0x0  }
0xa7: {  	s25 =	simm.s32 $0x1B8E;
	[sflag:s24] =	ssyncadd.s32 $0xFFFFFFFF  }
0xa8: {  	s26 =	simm.s32 $execute0_lowered;
	[smem:$0x3FD2] =	sst s25  }
0xa9: {  	s7 =	sshll.u32 s26, $0x1;
	_ =	strace $0x80000046;
	[dreg:$0x1] =	wrdreg $0xFFFFFFFF  }
0xaa: {  	s28 =	simm.s32 $_size_execute0_lowered;
	s6 =	sadd.s32 s6, s7;
	[dreg:$0x0] =	wrdreg $0x0  }
0xab: {  	s7 =	sshll.u32 s28, $0x1;
	[dreg:$0x2] =	wrdreg s6  }
0xac: {  	[dreg:$0x3] =	wrdreg s7  }
0xad: {  	[dreg:$0x4] =	wrdreg $0xC0  }
0xae: {  	_ =	task [dreg:s10], $0x5FFFF  }
0xaf: {  	[dreg:$0x1] =	wrdreg $0xFFFFFFFF  }
0xb0: {  	[dreg:$0x0] =	wrdreg $0x60  }
0xb1: {  	[dreg:$0x2] =	wrdreg s2  }
0xb2: {  	[dreg:$0x3] =	wrdreg s19  }
0xb3: {  	[dreg:$0x4] =	wrdreg s4  }
0xb4: {  	[dreg:$0x5] =	wrdreg s5  }
0xb5: {  	[dreg:$0x6] =	wrdreg $0x9  }
0xb6: {  	_ =	task.clear_ibuf [dreg:s10], $0x7FFFF;
	_ =	strace $0x90000046  }
0xb7: {  	s29 =	simm.s32 $0x9;
	_ =	strace $0x80000048  }
0xb8: {  	_ =	swait.ge [sflag:s29], $0x1  }
0xb9: {  	[sflag:s29] =	ssyncadd.s32 $0xFFFFFFFF  }
0xba: {  	_ =	strace $0x90000048  }
0xbb: {  	_ =	sfence  }
0xbc: {  	s30 =	sld [smem:$0x0];
	_ =	sdelay $0x2  }
0xbd: {  	s31 =	sshll.u32 s1, $0xD;
	s1 =	sshrl.u32 s1, $0x2  }
0xbe: {  	s3 =	sand.u32 $0x4000, s31;
	s1 =	sadd.s32 s1, s30  }
0xbf: {  	s0 =	sor.u32 s3, s0;
	s1 =	sshll.u32 s1, $0x11  }
0xc0: {  	s0 =	sor.u32 s1, s0  }
0xc1: {  	s0 =	sadd.s32 $0x8F2B, s0  }
0xc2: {  	[sflag:s0] =	ssyncadd.remote.s32 $0x1  }
0xc3: {  	_ =	sfence.sel $0xFFFF  }
0xc4: {  	[dreg:$0x0] =	wrdreg $0xFFFFFFFF;
	(pc) =	sbr.abs _section_cstart, $3  }
0xc5: {  	[dreg:$0x1] =	wrdreg $0xFFFFFFFF  }
0xc6: {  	_ =	task.clear_ibuf [dreg:s10], $0x2FFFF;
	_ =	strace $0x9FFFFFFF  }
0xc7: {  	(tm) =	ssettm $0x7FFFFFFF  }
tec
execute0_lowered:
.L_overlay_start_1:
0x0: {  	(tag) =	ssettag $0x1  }
0x1: {  	s1 =	rddreg [dreg:$0x0]  }
0x2: {  	s0 =	rddreg [dreg:$0x1]  }
0x3: {  	s2 =	rddreg [dreg:$0x2]  }
0x4: {  	s4 =	rddreg [dreg:$0x3];
	s5 =	simm.s32 $0x0;
	s3 =	srdreg.scid  }
0x5: {  	s9 =	stileid.u32;
	s28 =	simm.s32 $0x5;
	s29 =	simm.s32 $0x1  }
0x6: {  	s31 =	simm.s32 $0x6;
	s18 =	simm.s32 $0x7;
	s21 =	simm.s32 $0x3  }
0x7: {  	s14 =	simm.s32 $0x4;
	s15 =	simm.s32 $0x16200;
	s16 =	simm.s32 $0x0  }
0x8: {  	[smem:$0x7FF] =	sst s5;
	s3 =	sand.u32 $0x1, s3;
	s6 =	sshll.u32 s9, $0x1  }
0x9: {  	s9 =	sshrl.u32 s9, $0x2;
	s7 =	ssub.s32 $0x2, s3;
	s6 =	sand.u32 $0x6, s6  }
0xa: {  	s8 =	sshrl.u32 s7, $0x1;
	s3 =	sor.u32 s3, s6;
	s6 =	sshll.u32 s9, $0x16  }
0xb: {  	s9 =	sshll.u32 s9, $0x4;
	s11 =	ssub.s32 s7, s8;
	s22 =	sshll.u32 s3, $0x13  }
0xc: {  	s7 =	sshll.u32 s3, $0x9;
	s3 =	sshll.u32 s3, $0x8;
	s0 =	sadd.s32 s0, s9  }
0xd: {  	_ =	strace $0x80000047;
	s8 =	sor.u32 s6, s22;
	s0 =	sadd.s32 s3, s0  }
0xe: {  	s30 =	smax.u32 s11, $0x1;
	s23 =	sshrl.u32 s8, $0x3;
	[dreg:$0x5] =	wrdreg s0  }
.Ltmp0:
0xf: {  	[dreg:$0xa] =	wrdreg s30;
	s24 =	sadd.s32 s1, s23;
	(pc) =	sbr.rel .LBB2_1-.Ltmp0, $4  }
0x10: {  	s10 =	sadd.s32 $0x100, s2;
	s25 =	sadd.s32 $0x400, s24;
	[dreg:$0x6] =	wrdreg s24  }
0x11: {  	v0 =	vlaneseq.u32;
	s12 =	sadd.s32 $0x200, s2;
	s26 =	sadd.s32 $0x800, s24;
	[dreg:$0x7] =	wrdreg s25  }
0x12: {  	s13 =	sadd.s32 $0x300, s2;
	v1 =	vshrl.u32 v0, $0x3;
	s0 =	sadd.s32 $0xC00, s24;
	[dreg:$0x8] =	wrdreg s26  }
0x13: {  	vm0 =	vmmov $0xffff;
	v0 =	vand.u32 $0x7, v0;
	v1 =	vmul.u32 $0x8, v1;
	s9 =	simm.s32 $0x8;
	[dreg:$0x9] =	wrdreg s0;
	s0 =	simm.s32 $0x2  }
.LBB2_12:
0x14: {  	s3 =	simm.s32 $0x9  }
0x15: {  	_ =	swait.ge [sflag:s3], $0x2000  }
0x16: {  	[sflag:s3] =	ssyncset.done $0x0  }
0x17: {  	s25 =	simm.s32 $0xA;
	[sflag:s3] =	ssyncadd.s32 $0xFFFFE000  }
0x18: {  	_ =	swait.ge [sflag:s25], $0x2000  }
0x19: {  	[sflag:s25] =	ssyncset.done $0x0  }
0x1a: {  	s26 =	simm.s32 $0xB;
	[sflag:s25] =	ssyncadd.s32 $0xFFFFE000  }
0x1b: {  	_ =	swait.ge [sflag:s26], $0x2000  }
0x1c: {  	[sflag:s26] =	ssyncset.done $0x0  }
0x1d: {  	s11 =	simm.s32 $0xC;
	[sflag:s26] =	ssyncadd.s32 $0xFFFFE000  }
0x1e: {  	_ =	swait.ge [sflag:s11], $0x2000  }
0x1f: {  	s16 =	rddreg [dreg:$0xb]  }
0x20: {  	s30 =	rddreg [dreg:$0xa];
	s16 =	sadd.s32 $0x1, s16  }
0x21: {  	p0 =	sne.s32 s16, s30  }
.Ltmp1:
0x22: {  	_ = 	snop;
	(pc) =	sbr.rel @!p0 .LBB2_13-.Ltmp1, $3  }
0x23: {  	_ =	sdelay $0x1  }
0x24: {  	[sflag:s11] =	ssyncset.done $0x0  }
0x25: {  	[sflag:s11] =	ssyncadd.s32 $0xFFFFE000  }
.LBB2_1:
0x26: {  	[dreg:$0xb] =	wrdreg s16  }
0x27: {  	s3 =	rddreg [dreg:$0x5]  }
0x28: {  	s11 =	simm.s32 $0x80;
	s24 =	simm.s32 $0x200;
	s25 =	simm.s32 $0xD  }
0x29: {  	[tilespmem:s5], [sflag:$0xD] =	stream.strided.gather [hbm4b:s3+s11], $0x200, s24, s11, $0x38;
	[tilespmem:$0x18200] =	vst v63  }
0x2a: {  	_ =	swait.ge [sflag:s25], $0x200  }
0x2b: {  	[sflag:s25] =	ssyncset.done $0x0  }
0x2c: {  	[sflag:s25] =	ssyncadd.s32 $0xFFFFFE00  }
0x2d: {  	v2 =	vld.msk [tilespmem:$0x0], $0xff;
	_ =	sdelay $0x4  }
0x2e: {  	v3 =	vshll.u32 v2, $0x3  }
0x2f: {  	v2 =	vand.u32 $0x7, v2;
	v3 =	vand.u32 $0xFFFFFFC0, v3  }
0x30: {  	v2 =	vor.u32 v2, v3  }
0x31: {  	v2 =	vperm.xlane v2, v0;
	_ =	sdelay $0x1  }
0x32: {  	v2 =	vadd.s32 v1, v2;
	_ =	sdelay $0x3  }
0x33: {  	s26 =	simm.s32 $0x8200  }
0x34: {  	[tilespmem:s26], [sflag:$0x5] =	stream.indirect_vreg.gather [hbm4b:s2+s5], $0x80, v2, vm0, $0xb8;
	[tilespmem:$0x18200] =	vst v63  }
0x35: {  	s30 =	simm.s32 $0x8A00  }
0x36: {  	[tilespmem:s30], [sflag:$0x5] =	stream.indirect_vreg.gather [hbm4b:s10+s5], $0x80, v2, vm0, $0xb8;
	[tilespmem:$0x18200] =	vst v63  }
0x37: {  	s11 =	simm.s32 $0x9200  }
0x38: {  	[tilespmem:s11], [sflag:$0x5] =	stream.indirect_vreg.gather [hbm4b:s12+s5], $0x80, v2, vm0, $0xb8;
	[tilespmem:$0x18200] =	vst v63  }
0x39: {  	s17 =	simm.s32 $0x9A00  }
0x3a: {  	[tilespmem:s17], [sflag:$0x5] =	stream.indirect_vreg.gather [hbm4b:s13+s5], $0x80, v2, vm0, $0xb8;
	[tilespmem:$0x18200] =	vst v63  }
0x3b: {  	s19 =	rddreg [dreg:$0x6]  }
0x3c: {  	[tilespmem:s24], [sflag:$0x1] =	stream.linear.gather [hbm4b:s19+s5], $0x2000, $0x38;
	[tilespmem:$0x18200] =	vst v63  }
0x3d: {  	v2 =	vld.msk [tilespmem:$0x8], $0xff;
	_ =	sdelay $0x4  }
0x3e: {  	v3 =	vshll.u32 v2, $0x3  }
0x3f: {  	v2 =	vand.u32 $0x7, v2;
	v3 =	vand.u32 $0xFFFFFFC0, v3  }
0x40: {  	v2 =	vor.u32 v2, v3  }
0x41: {  	v2 =	vperm.xlane v2, v0;
	_ =	sdelay $0x1  }
0x42: {  	v2 =	vadd.s32 v1, v2;
	_ =	sdelay $0x3  }
0x43: {  	s20 =	simm.s32 $0xA200  }
0x44: {  	[tilespmem:s20], [sflag:$0x6] =	stream.indirect_vreg.gather [hbm4b:s2+s5], $0x80, v2, vm0, $0xb8;
	[tilespmem:$0x18200] =	vst v63  }
0x45: {  	s22 =	simm.s32 $0xAA00  }
0x46: {  	[tilespmem:s22], [sflag:$0x6] =	stream.indirect_vreg.gather [hbm4b:s10+s5], $0x80, v2, vm0, $0xb8;
	[tilespmem:$0x18200] =	vst v63  }
0x47: {  	s23 =	simm.s32 $0xB200  }
0x48: {  	[tilespmem:s23], [sflag:$0x6] =	stream.indirect_vreg.gather [hbm4b:s12+s5], $0x80, v2, vm0, $0xb8;
	[tilespmem:$0x18200] =	vst v63  }
0x49: {  	s24 =	simm.s32 $0xBA00  }
0x4a: {  	[tilespmem:s24], [sflag:$0x6] =	stream.indirect_vreg.gather [hbm4b:s13+s5], $0x80, v2, vm0, $0xb8;
	[tilespmem:$0x18200] =	vst v63  }
0x4b: {  	s25 =	rddreg [dreg:$0x7];
	s26 =	simm.s32 $0x2200  }
0x4c: {  	[tilespmem:s26], [sflag:$0x2] =	stream.linear.gather [hbm4b:s25+s5], $0x2000, $0x38;
	[tilespmem:$0x18200] =	vst v63  }
0x4d: {  	v2 =	vld.msk [tilespmem:$0x10], $0xff;
	_ =	sdelay $0x4  }
0x4e: {  	v3 =	vshll.u32 v2, $0x3  }
0x4f: {  	v2 =	vand.u32 $0x7, v2;
	v3 =	vand.u32 $0xFFFFFFC0, v3  }
0x50: {  	v2 =	vor.u32 v2, v3  }
0x51: {  	v2 =	vperm.xlane v2, v0;
	_ =	sdelay $0x1  }
0x52: {  	v2 =	vadd.s32 v1, v2;
	_ =	sdelay $0x3  }
0x53: {  	s30 =	simm.s32 $0xC200  }
0x54: {  	[tilespmem:s30], [sflag:$0x7] =	stream.indirect_vreg.gather [hbm4b:s2+s5], $0x80, v2, vm0, $0xb8;
	[tilespmem:$0x18200] =	vst v63  }
0x55: {  	s11 =	simm.s32 $0xCA00  }
0x56: {  	[tilespmem:s11], [sflag:$0x7] =	stream.indirect_vreg.gather [hbm4b:s10+s5], $0x80, v2, vm0, $0xb8;
	[tilespmem:$0x18200] =	vst v63  }
0x57: {  	s16 =	simm.s32 $0xD200  }
0x58: {  	[tilespmem:s16], [sflag:$0x7] =	stream.indirect_vreg.gather [hbm4b:s12+s5], $0x80, v2, vm0, $0xb8;
	[tilespmem:$0x18200] =	vst v63  }
0x59: {  	s17 =	simm.s32 $0xDA00  }
0x5a: {  	[tilespmem:s17], [sflag:$0x7] =	stream.indirect_vreg.gather [hbm4b:s13+s5], $0x80, v2, vm0, $0xb8;
	[tilespmem:$0x18200] =	vst v63  }
0x5b: {  	s19 =	rddreg [dreg:$0x8];
	s20 =	simm.s32 $0x4200  }
0x5c: {  	[tilespmem:s20], [sflag:$0x3] =	stream.linear.gather [hbm4b:s19+s5], $0x2000, $0x38;
	[tilespmem:$0x18200] =	vst v63  }
0x5d: {  	v2 =	vld.msk [tilespmem:$0x18], $0xff;
	_ =	sdelay $0x4  }
0x5e: {  	v3 =	vshll.u32 v2, $0x3  }
0x5f: {  	v2 =	vand.u32 $0x7, v2;
	v3 =	vand.u32 $0xFFFFFFC0, v3  }
0x60: {  	v2 =	vor.u32 v2, v3  }
0x61: {  	v2 =	vperm.xlane v2, v0;
	_ =	sdelay $0x1  }
0x62: {  	v2 =	vadd.s32 v1, v2;
	_ =	sdelay $0x3  }
0x63: {  	s22 =	simm.s32 $0xE200  }
0x64: {  	[tilespmem:s22], [sflag:$0x8] =	stream.indirect_vreg.gather [hbm4b:s2+s5], $0x80, v2, vm0, $0xb8;
	[tilespmem:$0x18200] =	vst v63  }
0x65: {  	s23 =	simm.s32 $0xEA00  }
0x66: {  	[tilespmem:s23], [sflag:$0x8] =	stream.indirect_vreg.gather [hbm4b:s10+s5], $0x80, v2, vm0, $0xb8;
	[tilespmem:$0x18200] =	vst v63  }
0x67: {  	s24 =	simm.s32 $0xF200  }
0x68: {  	[tilespmem:s24], [sflag:$0x8] =	stream.indirect_vreg.gather [hbm4b:s12+s5], $0x80, v2, vm0, $0xb8;
	[tilespmem:$0x18200] =	vst v63  }
0x69: {  	s25 =	simm.s32 $0xFA00  }
0x6a: {  	[tilespmem:s25], [sflag:$0x8] =	stream.indirect_vreg.gather [hbm4b:s13+s5], $0x80, v2, vm0, $0xb8;
	[tilespmem:$0x18200] =	vst v63  }
0x6b: {  	s26 =	rddreg [dreg:$0x9];
	s30 =	simm.s32 $0x6200;
	s17 =	simm.s32 $0x0  }
0x6c: {  	[tilespmem:s30], [sflag:$0x4] =	stream.linear.gather [hbm4b:s26+s5], $0x2000, $0x38;
	[tilespmem:$0x18200] =	vst v63  }
.LBB2_2:
0x6d: {  	_ =	swait.ge [sflag:s28], $0x2000  }
0x6e: {  	[sflag:s28] =	ssyncset.done $0x0  }
0x6f: {  	[sflag:s28] =	ssyncadd.s32 $0xFFFFE000  }
0x70: {  	_ =	swait.ge [sflag:s29], $0x2000  }
0x71: {  	p0 =	seq.s32 s17, $0x0;
	[sflag:s29] =	ssyncset.done $0x0  }
0x72: {  	s20 =	simm.s32 $0x0;
	s11 =	simm.s32 @!p0 $0x9;
	[sflag:s29] =	ssyncadd.s32 $0xFFFFE000  }
0x73: {  	s16 =	sand.u32 $0x1C00, s20;
	_ =	swait.ge @!p0 [sflag:s11], $0x2000  }
0x74: {  	s22 =	sor.u32 s16, s20;
	[sflag:s11] =	ssyncset.done @!p0 $0x0  }
0x75: {  	s26 =	sor.u32 $0x70, s22;
	[sflag:s11] =	ssyncadd.s32 @!p0 $0xFFFFE000  }
0x76: {  	s30 =	sand.u32 $0x380, s20;
	v2 =	vld [tilespmem:s26+$0x200]  }
0x77: {  	s16 =	sor.u32 s30, s16;
	v3 =	vld [tilespmem:s26+$0x8200]  }
0x78: {  	v4 =	vld [tilespmem:s16+$0x200]  }
0x79: {  	v5 =	vld [tilespmem:s16+$0x8200]  }
0x7a: {  	v6 =	vld [tilespmem:s16+$0x210]  }
0x7b: {  	v7 =	vld [tilespmem:s16+$0x8210]  }
0x7c: {  	v8 =	vld [tilespmem:s16+$0x220]  }
0x7d: {  	v9 =	vld [tilespmem:s16+$0x8220]  }
0x7e: {  	v3 =	vadd.f32 v3, v2;
	v2 =	vld [tilespmem:s16+$0x230]  }
0x7f: {  	v4 =	vadd.f32 v5, v4;
	v5 =	vld [tilespmem:s16+$0x8230]  }
0x80: {  	v6 =	vadd.f32 v7, v6;
	[tilespmem:s26+$0x10200] =	vst v3;
	v3 =	vld [tilespmem:s16+$0x240]  }
0x81: {  	[tilespmem:s16+$0x10200] =	vst v4;
	v4 =	vld [tilespmem:s16+$0x8240]  }
0x82: {  	s23 =	simm.s32 $0x400;
	s22 =	simm.s32 $0x0;
	s11 =	sshll.u32 s17, $0x5;
	v7 =	vadd.f32 v9, v8;
	[tilespmem:s16+$0x10210] =	vst v6;
	v6 =	vld [tilespmem:s16+$0x250]  }
.LBB2_3:
0x83: {  	s24 =	sand.u32 $0x1C00, s23;
	v8 =	vld [tilespmem:s16+$0x8250];
	s20 =	sadd.s32 $0x10, s20  }
0x84: {  	s22 =	sadd.s32 $0x8, s22;
	s25 =	sand.u32 $0x380, s20;
	s26 =	sor.u32 s24, s20;
	[tilespmem:s16+$0x10220] =	vst v7;
	v2 =	vadd.f32 v5, v2;
	v5 =	vld [tilespmem:s16+$0x260]  }
0x85: {  	p1 =	slt.u32 s22, $0x1F8;
	s24 =	sor.u32 s25, s24;
	s25 =	sor.u32 $0x70, s26;
	v7 =	vld [tilespmem:s16+$0x8260]  }
0x86: {  	v9 =	vld [tilespmem:s25+$0x200];
	[tilespmem:s16+$0x10230] =	vst v2;
	v2 =	vadd.f32 v4, v3  }
0x87: {  	v3 =	vld [tilespmem:s25+$0x8200]  }
0x88: {  	v4 =	vld [tilespmem:s24+$0x200];
	[tilespmem:s16+$0x10240] =	vst v2;
	v2 =	vadd.f32 v8, v6  }
0x89: {  	v6 =	vld [tilespmem:s24+$0x8200]  }
0x8a: {  	v8 =	vld [tilespmem:s24+$0x210];
	[tilespmem:s16+$0x10250] =	vst v2;
	v2 =	vadd.f32 v7, v5  }
0x8b: {  	v7 =	vld [tilespmem:s24+$0x8210]  }
0x8c: {  	v10 =	vld [tilespmem:s24+$0x220];
	v3 =	vadd.f32 v3, v9;
	[tilespmem:s16+$0x10260] =	vst v2;
	s16 =	smov.u32 s24  }
0x8d: {  	v9 =	vld [tilespmem:s16+$0x8220]  }
.Ltmp2:
0x8e: {  	v4 =	vadd.f32 v6, v4;
	v2 =	vld [tilespmem:s16+$0x230];
	[tilespmem:s25+$0x10200] =	vst v3;
	(pc) =	sbr.rel @p1 .LBB2_3-.Ltmp2, $4  }
0x8f: {  	v5 =	vld [tilespmem:s16+$0x8230]  }
0x90: {  	[tilespmem:s16+$0x10200] =	vst v4;
	v6 =	vadd.f32 v7, v8;
	v3 =	vld [tilespmem:s16+$0x240]  }
0x91: {  	v4 =	vld [tilespmem:s16+$0x8240]  }
0x92: {  	s23 =	sadd.s32 $0x400, s23;
	[tilespmem:s16+$0x10210] =	vst v6;
	v7 =	vadd.f32 v9, v10;
	v6 =	vld [tilespmem:s16+$0x250]  }
0x93: {  	v8 =	vld [tilespmem:s16+$0x8250]  }
0x94: {  	v9 =	vld [tilespmem:s16+$0x260]  }
0x95: {  	v10 =	vld [tilespmem:s16+$0x8260];
	_ =	sdelay $0x1  }
0x96: {  	v2 =	vadd.f32 v5, v2  }
0x97: {  	[tilespmem:s16+$0x10220] =	vst v7;
	v3 =	vadd.f32 v4, v3  }
0x98: {  	s20 =	sshll.u32 s17, $0xF;
	[tilespmem:s16+$0x10230] =	vst v2;
	v2 =	vadd.f32 v8, v6  }
0x99: {  	s20 =	sor.u32 s20, s8;
	[tilespmem:s16+$0x10240] =	vst v3;
	v3 =	vadd.f32 v10, v9  }
0x9a: {  	s20 =	sshrl.u32 s20, $0x3;
	[tilespmem:s16+$0x10250] =	vst v2  }
0x9b: {  	s3 =	simm.s32 $0x10200;
	p1 =	seq.s32 s17, $0xF;
	s24 =	sadd.s32 s4, s20;
	[tilespmem:s16+$0x10260] =	vst v3  }
0x9c: {  	[hbm4b:s24+s5] =	stream.linear.scatter [tilespmem:s3], [sflag:$0x9], $0x2000, $0x38;
	[tilespmem:$0x18200] =	vst v63  }
0x9d: {  	v2 =	vld.msk @!p1 [tilespmem:s11+$0x20], $0xff;
	_ =	sdelay $0x4  }
0x9e: {  	v3 =	vshll.u32 @!p1 v2, $0x3  }
0x9f: {  	v4 =	vlaneseq.u32 @!p1;
	v2 =	vand.u32 @!p1 $0x7, v2;
	v3 =	vand.u32 @!p1 $0xFFFFFFC0, v3  }
0xa0: {  	v2 =	vor.u32 @!p1 v2, v3;
	v3 =	vand.u32 @!p1 $0x7, v4;
	v4 =	vshrl.u32 @!p1 v4, $0x3  }
0xa1: {  	v2 =	vperm.xlane @!p1 v2, v3;
	v3 =	vmul.u32 @!p1 $0x8, v4;
	_ =	sdelay $0x1  }
0xa2: {  	v2 =	vadd.s32 @!p1 v3, v2;
	_ =	sdelay $0x3  }
0xa3: {  	vm1 =	vmmov @!p1 $0xffff;
	s22 =	simm.s32 @!p1 $0x8200;
	s16 =	simm.s32 @!p1 $0x0  }
0xa4: {  	[tilespmem:s22], [sflag:$0x5] =	stream.indirect_vreg.gather @!p1 [hbm4b:s2+s16], $0x80, v2, vm1, $0xb8;
	[tilespmem:$0x18200] =	vst v63  }
0xa5: {  	s22 =	simm.s32 @!p1 $0x8A00  }
0xa6: {  	[tilespmem:s22], [sflag:$0x5] =	stream.indirect_vreg.gather @!p1 [hbm4b:s10+s16], $0x80, v2, vm1, $0xb8;
	[tilespmem:$0x18200] =	vst v63  }
0xa7: {  	s22 =	simm.s32 @!p1 $0x9200  }
0xa8: {  	[tilespmem:s22], [sflag:$0x5] =	stream.indirect_vreg.gather @!p1 [hbm4b:s12+s16], $0x80, v2, vm1, $0xb8;
	[tilespmem:$0x18200] =	vst v63  }
0xa9: {  	s22 =	sadd.s32 @!p1 $0x20, s11  }
0xaa: {  	s23 =	simm.s32 @!p1 $0x9A00;
	s22 =	sadd.s32 @!p1 s7, s22  }
0xab: {  	[tilespmem:s23], [sflag:$0x5] =	stream.indirect_vreg.gather @!p1 [hbm4b:s13+s16], $0x80, v2, vm1, $0xb8;
	[tilespmem:$0x18200] =	vst v63  }
0xac: {  	s22 =	sshll.u32 @!p1 s22, $0xA  }
0xad: {  	s22 =	sadd.s32 @!p1 s6, s22  }
0xae: {  	s22 =	sshrl.u32 @!p1 s22, $0x3  }
0xaf: {  	s23 =	simm.s32 @!p1 $0x200;
	s22 =	sadd.s32 @!p1 s1, s22  }
0xb0: {  	[tilespmem:s23], [sflag:$0x1] =	stream.linear.gather @!p1 [hbm4b:s22+s16], $0x2000, $0x38;
	[tilespmem:$0x18200] =	vst v63  }
0xb1: {  	_ =	swait.ge [sflag:s31], $0x2000  }
0xb2: {  	[sflag:s31] =	ssyncset.done $0x0  }
0xb3: {  	[sflag:s31] =	ssyncadd.s32 $0xFFFFE000  }
0xb4: {  	_ =	swait.ge [sflag:s0], $0x2000  }
0xb5: {  	[sflag:s0] =	ssyncset.done $0x0  }
0xb6: {  	s16 =	simm.s32 @!p0 $0xA;
	s23 =	simm.s32 $0x0;
	[sflag:s0] =	ssyncadd.s32 $0xFFFFE000  }
0xb7: {  	s25 =	sand.u32 $0x1C00, s23;
	_ =	swait.ge @!p0 [sflag:s16], $0x2000  }
0xb8: {  	s24 =	sor.u32 s25, s23;
	[sflag:s16] =	ssyncset.done @!p0 $0x0  }
0xb9: {  	s26 =	sor.u32 $0x70, s24;
	[sflag:s16] =	ssyncadd.s32 @!p0 $0xFFFFE000  }
0xba: {  	s30 =	sand.u32 $0x380, s23;
	v2 =	vld [tilespmem:s26+$0x2200]  }
0xbb: {  	s22 =	sor.u32 s30, s25;
	v3 =	vld [tilespmem:s26+$0xA200]  }
0xbc: {  	v4 =	vld [tilespmem:s22+$0x2200]  }
0xbd: {  	v5 =	vld [tilespmem:s22+$0xA200]  }
0xbe: {  	v6 =	vld [tilespmem:s22+$0x2210]  }
0xbf: {  	v7 =	vld [tilespmem:s22+$0xA210]  }
0xc0: {  	v8 =	vld [tilespmem:s22+$0x2220]  }
0xc1: {  	v63 =	vld [tilespmem:s22+$0xA220]  }
0xc2: {  	v3 =	vadd.f32 v3, v2;
	v2 =	vld [tilespmem:s22+$0x2230]  }
0xc3: {  	v5 =	vadd.f32 v5, v4;
	v4 =	vld [tilespmem:s22+$0xA230]  }
0xc4: {  	v6 =	vadd.f32 v7, v6;
	[tilespmem:s26+$0x12200] =	vst v3;
	v3 =	vld [tilespmem:s22+$0x2240]  }
0xc5: {  	s16 =	sadd.s32 s11, s7;
	[tilespmem:s22+$0x12200] =	vst v5;
	v5 =	vld [tilespmem:s22+$0xA240]  }
0xc6: {  	s25 =	simm.s32 $0x0;
	s24 =	sadd.s32 $0x8, s16;
	v7 =	vadd.f32 v63, v8;
	[tilespmem:s22+$0x12210] =	vst v6;
	v6 =	vld [tilespmem:s22+$0x2250];
	s26 =	simm.s32 $0x400  }
.LBB2_5:
0xc7: {  	s30 =	sand.u32 $0x1C00, s26;
	v8 =	vld [tilespmem:s22+$0xA250];
	s23 =	sadd.s32 $0x10, s23  }
0xc8: {  	s25 =	sadd.s32 $0x8, s25;
	s3 =	sand.u32 $0x380, s23;
	s19 =	sor.u32 s30, s23;
	[tilespmem:s22+$0x12220] =	vst v7;
	v2 =	vadd.f32 v4, v2;
	v4 =	vld [tilespmem:s22+$0x2260]  }
0xc9: {  	p2 =	slt.u32 s25, $0x1F8;
	s3 =	sor.u32 s3, s30;
	s19 =	sor.u32 $0x70, s19;
	v7 =	vld [tilespmem:s22+$0xA260]  }
0xca: {  	v9 =	vld [tilespmem:s19+$0x2200];
	[tilespmem:s22+$0x12230] =	vst v2;
	v2 =	vadd.f32 v5, v3  }
0xcb: {  	v3 =	vld [tilespmem:s19+$0xA200]  }
0xcc: {  	v5 =	vld [tilespmem:s3+$0x2200];
	[tilespmem:s22+$0x12240] =	vst v2;
	v2 =	vadd.f32 v8, v6  }
0xcd: {  	v6 =	vld [tilespmem:s3+$0xA200]  }
0xce: {  	v8 =	vld [tilespmem:s3+$0x2210];
	[tilespmem:s22+$0x12250] =	vst v2;
	v2 =	vadd.f32 v7, v4  }
0xcf: {  	v7 =	vld [tilespmem:s3+$0xA210]  }
0xd0: {  	v10 =	vld [tilespmem:s3+$0x2220];
	v3 =	vadd.f32 v3, v9;
	[tilespmem:s22+$0x12260] =	vst v2;
	s22 =	smov.u32 s3  }
0xd1: {  	v9 =	vld [tilespmem:s22+$0xA220]  }
.Ltmp3:
0xd2: {  	v5 =	vadd.f32 v6, v5;
	v2 =	vld [tilespmem:s22+$0x2230];
	[tilespmem:s19+$0x12200] =	vst v3;
	(pc) =	sbr.rel @p2 .LBB2_5-.Ltmp3, $4  }
0xd3: {  	v4 =	vld [tilespmem:s22+$0xA230]  }
0xd4: {  	[tilespmem:s22+$0x12200] =	vst v5;
	v6 =	vadd.f32 v7, v8;
	v3 =	vld [tilespmem:s22+$0x2240]  }
0xd5: {  	v5 =	vld [tilespmem:s22+$0xA240]  }
0xd6: {  	s26 =	sadd.s32 $0x400, s26;
	[tilespmem:s22+$0x12210] =	vst v6;
	v7 =	vadd.f32 v9, v10;
	v6 =	vld [tilespmem:s22+$0x2250]  }
0xd7: {  	v8 =	vld [tilespmem:s22+$0xA250]  }
0xd8: {  	v9 =	vld [tilespmem:s22+$0x2260]  }
0xd9: {  	v10 =	vld [tilespmem:s22+$0xA260];
	_ =	sdelay $0x1  }
0xda: {  	v2 =	vadd.f32 v4, v2  }
0xdb: {  	[tilespmem:s22+$0x12220] =	vst v7;
	v3 =	vadd.f32 v5, v3  }
0xdc: {  	s3 =	sshll.u32 s24, $0xA;
	[tilespmem:s22+$0x12230] =	vst v2;
	v2 =	vadd.f32 v8, v6  }
0xdd: {  	s3 =	sadd.s32 s6, s3;
	[tilespmem:s22+$0x12240] =	vst v3;
	v3 =	vadd.f32 v10, v9  }
0xde: {  	s3 =	sshrl.u32 s3, $0x3;
	[tilespmem:s22+$0x12250] =	vst v2  }
0xdf: {  	s19 =	simm.s32 $0x12200;
	s3 =	sadd.s32 s4, s3;
	[tilespmem:s22+$0x12260] =	vst v3  }
0xe0: {  	[hbm4b:s3+s5] =	stream.linear.scatter [tilespmem:s19], [sflag:$0xA], $0x2000, $0x38;
	[tilespmem:$0x18200] =	vst v63  }
0xe1: {  	v2 =	vld.msk @!p1 [tilespmem:s11+$0x28], $0xff;
	_ =	sdelay $0x4  }
0xe2: {  	v3 =	vshll.u32 @!p1 v2, $0x3  }
0xe3: {  	v4 =	vlaneseq.u32 @!p1;
	v2 =	vand.u32 @!p1 $0x7, v2;
	v3 =	vand.u32 @!p1 $0xFFFFFFC0, v3  }
0xe4: {  	v2 =	vor.u32 @!p1 v2, v3;
	v3 =	vand.u32 @!p1 $0x7, v4;
	v4 =	vshrl.u32 @!p1 v4, $0x3  }
0xe5: {  	v2 =	vperm.xlane @!p1 v2, v3;
	v3 =	vmul.u32 @!p1 $0x8, v4;
	_ =	sdelay $0x1  }
0xe6: {  	v2 =	vadd.s32 @!p1 v3, v2;
	_ =	sdelay $0x3  }
0xe7: {  	s3 =	simm.s32 @!p1 $0x0;
	s19 =	simm.s32 @!p1 $0xA200  }
0xe8: {  	[tilespmem:s19], [sflag:$0x6] =	stream.indirect_vreg.gather @!p1 [hbm4b:s2+s3], $0x80, v2, vm1, $0xb8;
	[tilespmem:$0x18200] =	vst v63  }
0xe9: {  	s19 =	simm.s32 @!p1 $0xAA00  }
0xea: {  	[tilespmem:s19], [sflag:$0x6] =	stream.indirect_vreg.gather @!p1 [hbm4b:s10+s3], $0x80, v2, vm1, $0xb8;
	[tilespmem:$0x18200] =	vst v63  }
0xeb: {  	s19 =	simm.s32 @!p1 $0xB200  }
0xec: {  	[tilespmem:s19], [sflag:$0x6] =	stream.indirect_vreg.gather @!p1 [hbm4b:s12+s3], $0x80, v2, vm1, $0xb8;
	[tilespmem:$0x18200] =	vst v63  }
0xed: {  	s19 =	sadd.s32 @!p1 $0x28, s11  }
0xee: {  	s22 =	simm.s32 @!p1 $0xBA00;
	s19 =	sadd.s32 @!p1 s7, s19  }
0xef: {  	[tilespmem:s22], [sflag:$0x6] =	stream.indirect_vreg.gather @!p1 [hbm4b:s13+s3], $0x80, v2, vm1, $0xb8;
	[tilespmem:$0x18200] =	vst v63  }
0xf0: {  	s19 =	sshll.u32 @!p1 s19, $0xA  }
0xf1: {  	s19 =	sadd.s32 @!p1 s6, s19  }
0xf2: {  	s19 =	sshrl.u32 @!p1 s19, $0x3  }
0xf3: {  	s22 =	simm.s32 @!p1 $0x2200;
	s19 =	sadd.s32 @!p1 s1, s19  }
0xf4: {  	[tilespmem:s22], [sflag:$0x2] =	stream.linear.gather @!p1 [hbm4b:s19+s3], $0x2000, $0x38;
	[tilespmem:$0x18200] =	vst v63  }
0xf5: {  	_ =	swait.ge [sflag:s18], $0x2000  }
0xf6: {  	[sflag:s18] =	ssyncset.done $0x0  }
0xf7: {  	[sflag:s18] =	ssyncadd.s32 $0xFFFFE000  }
0xf8: {  	_ =	swait.ge [sflag:s21], $0x2000  }
0xf9: {  	[sflag:s21] =	ssyncset.done $0x0  }
0xfa: {  	s23 =	simm.s32 $0x0;
	s3 =	simm.s32 @!p0 $0xB;
	[sflag:s21] =	ssyncadd.s32 $0xFFFFE000  }
0xfb: {  	s24 =	sand.u32 $0x1C00, s23;
	_ =	swait.ge @!p0 [sflag:s3], $0x2000  }
0xfc: {  	s25 =	sor.u32 s24, s23;
	[sflag:s3] =	ssyncset.done @!p0 $0x0  }
0xfd: {  	s26 =	sor.u32 $0x70, s25;
	[sflag:s3] =	ssyncadd.s32 @!p0 $0xFFFFE000  }
0xfe: {  	s30 =	sand.u32 $0x380, s23;
	v2 =	vld [tilespmem:s26+$0x4200]  }
0xff: {  	s22 =	sor.u32 s30, s24;
	v3 =	vld [tilespmem:s26+$0xC200]  }
0x100: {  	v4 =	vld [tilespmem:s22+$0x4200]  }
0x101: {  	v5 =	vld [tilespmem:s22+$0xC200]  }
0x102: {  	v7 =	vld [tilespmem:s22+$0x4210]  }
0x103: {  	v8 =	vld [tilespmem:s22+$0xC210]  }
0x104: {  	v62 =	vld [tilespmem:s22+$0x4220]  }
0x105: {  	v63 =	vld [tilespmem:s22+$0xC220]  }
0x106: {  	v6 =	vld [tilespmem:s22+$0xC230];
	v3 =	vadd.f32 v3, v2  }
0x107: {  	v2 =	vld [tilespmem:s22+$0x4230];
	v4 =	vadd.f32 v5, v4  }
0x108: {  	v5 =	vadd.f32 v8, v7;
	[tilespmem:s26+$0x14200] =	vst v3;
	v3 =	vld [tilespmem:s22+$0x4240]  }
0x109: {  	[tilespmem:s22+$0x14200] =	vst v4;
	v4 =	vld [tilespmem:s22+$0xC240]  }
0x10a: {  	s25 =	simm.s32 $0x400;
	s24 =	simm.s32 $0x0;
	v7 =	vadd.f32 v63, v62;
	[tilespmem:s22+$0x14210] =	vst v5;
	v5 =	vld [tilespmem:s22+$0x4250]  }
.LBB2_7:
0x10b: {  	s3 =	sand.u32 $0x1C00, s25;
	v8 =	vld [tilespmem:s22+$0xC250];
	s23 =	sadd.s32 $0x10, s23  }
0x10c: {  	s24 =	sadd.s32 $0x8, s24;
	s19 =	sand.u32 $0x380, s23;
	s26 =	sor.u32 s3, s23;
	[tilespmem:s22+$0x14220] =	vst v7;
	v2 =	vadd.f32 v6, v2;
	v6 =	vld [tilespmem:s22+$0x4260]  }
0x10d: {  	p2 =	slt.u32 s24, $0x1F8;
	s3 =	sor.u32 s19, s3;
	s19 =	sor.u32 $0x70, s26;
	v7 =	vld [tilespmem:s22+$0xC260]  }
0x10e: {  	v9 =	vld [tilespmem:s19+$0x4200];
	[tilespmem:s22+$0x14230] =	vst v2;
	v2 =	vadd.f32 v4, v3  }
0x10f: {  	v3 =	vld [tilespmem:s19+$0xC200]  }
0x110: {  	v4 =	vld [tilespmem:s3+$0x4200];
	[tilespmem:s22+$0x14240] =	vst v2;
	v2 =	vadd.f32 v8, v5  }
0x111: {  	v5 =	vld [tilespmem:s3+$0xC200]  }
0x112: {  	v8 =	vld [tilespmem:s3+$0x4210];
	[tilespmem:s22+$0x14250] =	vst v2;
	v2 =	vadd.f32 v7, v6  }
0x113: {  	v7 =	vld [tilespmem:s3+$0xC210]  }
0x114: {  	v10 =	vld [tilespmem:s3+$0x4220];
	v3 =	vadd.f32 v3, v9;
	[tilespmem:s22+$0x14260] =	vst v2;
	s22 =	smov.u32 s3  }
0x115: {  	v9 =	vld [tilespmem:s22+$0xC220]  }
.Ltmp4:
0x116: {  	v4 =	vadd.f32 v5, v4;
	v2 =	vld [tilespmem:s22+$0x4230];
	[tilespmem:s19+$0x14200] =	vst v3;
	(pc) =	sbr.rel @p2 .LBB2_7-.Ltmp4, $4  }
0x117: {  	v6 =	vld [tilespmem:s22+$0xC230]  }
0x118: {  	[tilespmem:s22+$0x14200] =	vst v4;
	v5 =	vadd.f32 v7, v8;
	v3 =	vld [tilespmem:s22+$0x4240]  }
0x119: {  	v4 =	vld [tilespmem:s22+$0xC240]  }
0x11a: {  	s25 =	sadd.s32 $0x400, s25;
	[tilespmem:s22+$0x14210] =	vst v5;
	v7 =	vadd.f32 v9, v10;
	v5 =	vld [tilespmem:s22+$0x4250]  }
0x11b: {  	v8 =	vld [tilespmem:s22+$0xC250]  }
0x11c: {  	v9 =	vld [tilespmem:s22+$0x4260]  }
0x11d: {  	v10 =	vld [tilespmem:s22+$0xC260];
	_ =	sdelay $0x1  }
0x11e: {  	v2 =	vadd.f32 v6, v2  }
0x11f: {  	[tilespmem:s22+$0x14220] =	vst v7;
	v3 =	vadd.f32 v4, v3  }
0x120: {  	[tilespmem:s22+$0x14230] =	vst v2;
	v2 =	vadd.f32 v8, v5  }
0x121: {  	[tilespmem:s22+$0x14240] =	vst v3;
	v3 =	vadd.f32 v10, v9  }
0x122: {  	s3 =	sadd.s32 s20, s4;
	[tilespmem:s22+$0x14250] =	vst v2  }
0x123: {  	s19 =	simm.s32 $0x14200;
	s3 =	sadd.s32 $0x800, s3;
	[tilespmem:s22+$0x14260] =	vst v3  }
0x124: {  	[hbm4b:s3+s5] =	stream.linear.scatter [tilespmem:s19], [sflag:$0xB], $0x2000, $0x38;
	[tilespmem:$0x18200] =	vst v63  }
0x125: {  	v2 =	vld.msk @!p1 [tilespmem:s11+$0x30], $0xff;
	_ =	sdelay $0x4  }
0x126: {  	v3 =	vshll.u32 @!p1 v2, $0x3  }
0x127: {  	v4 =	vlaneseq.u32 @!p1;
	v2 =	vand.u32 @!p1 $0x7, v2;
	v3 =	vand.u32 @!p1 $0xFFFFFFC0, v3  }
0x128: {  	v2 =	vor.u32 @!p1 v2, v3;
	v3 =	vand.u32 @!p1 $0x7, v4;
	v4 =	vshrl.u32 @!p1 v4, $0x3  }
0x129: {  	v2 =	vperm.xlane @!p1 v2, v3;
	v3 =	vmul.u32 @!p1 $0x8, v4;
	_ =	sdelay $0x1  }
0x12a: {  	v2 =	vadd.s32 @!p1 v3, v2;
	_ =	sdelay $0x3  }
0x12b: {  	s3 =	simm.s32 @!p1 $0x0;
	s19 =	simm.s32 @!p1 $0xC200  }
0x12c: {  	[tilespmem:s19], [sflag:$0x7] =	stream.indirect_vreg.gather @!p1 [hbm4b:s2+s3], $0x80, v2, vm1, $0xb8;
	[tilespmem:$0x18200] =	vst v63  }
0x12d: {  	s19 =	simm.s32 @!p1 $0xCA00  }
0x12e: {  	[tilespmem:s19], [sflag:$0x7] =	stream.indirect_vreg.gather @!p1 [hbm4b:s10+s3], $0x80, v2, vm1, $0xb8;
	[tilespmem:$0x18200] =	vst v63  }
0x12f: {  	s19 =	simm.s32 @!p1 $0xD200  }
0x130: {  	[tilespmem:s19], [sflag:$0x7] =	stream.indirect_vreg.gather @!p1 [hbm4b:s12+s3], $0x80, v2, vm1, $0xb8;
	[tilespmem:$0x18200] =	vst v63  }
0x131: {  	s19 =	sadd.s32 @!p1 $0x30, s11  }
0x132: {  	s20 =	simm.s32 @!p1 $0xDA00;
	s19 =	sadd.s32 @!p1 s7, s19  }
0x133: {  	[tilespmem:s20], [sflag:$0x7] =	stream.indirect_vreg.gather @!p1 [hbm4b:s13+s3], $0x80, v2, vm1, $0xb8;
	[tilespmem:$0x18200] =	vst v63  }
0x134: {  	s19 =	sshll.u32 @!p1 s19, $0xA  }
0x135: {  	s19 =	sadd.s32 @!p1 s6, s19  }
0x136: {  	s19 =	sshrl.u32 @!p1 s19, $0x3  }
0x137: {  	s20 =	simm.s32 @!p1 $0x4200;
	s19 =	sadd.s32 @!p1 s1, s19  }
0x138: {  	[tilespmem:s20], [sflag:$0x3] =	stream.linear.gather @!p1 [hbm4b:s19+s3], $0x2000, $0x38;
	[tilespmem:$0x18200] =	vst v63  }
0x139: {  	_ =	swait.ge [sflag:s9], $0x2000  }
0x13a: {  	[sflag:s9] =	ssyncset.done $0x0  }
0x13b: {  	[sflag:s9] =	ssyncadd.s32 $0xFFFFE000  }
0x13c: {  	_ =	swait.ge [sflag:s14], $0x2000  }
0x13d: {  	[sflag:s14] =	ssyncset.done $0x0  }
0x13e: {  	s22 =	simm.s32 $0x0;
	s3 =	simm.s32 @!p0 $0xC;
	[sflag:s14] =	ssyncadd.s32 $0xFFFFE000  }
0x13f: {  	s24 =	sand.u32 $0x1C00, s22;
	_ =	swait.ge @!p0 [sflag:s3], $0x2000  }
0x140: {  	s25 =	sor.u32 s24, s22;
	[sflag:s3] =	ssyncset.done @!p0 $0x0  }
0x141: {  	s26 =	sor.u32 $0x70, s25;
	[sflag:s3] =	ssyncadd.s32 @!p0 $0xFFFFE000  }
0x142: {  	s30 =	sand.u32 $0x380, s22;
	v2 =	vld [tilespmem:s26+$0x6200]  }
0x143: {  	s20 =	sor.u32 s30, s24;
	v3 =	vld [tilespmem:s26+$0xE200]  }
0x144: {  	v4 =	vld [tilespmem:s20+$0x6200]  }
0x145: {  	v5 =	vld [tilespmem:s20+$0xE200]  }
0x146: {  	v6 =	vld [tilespmem:s20+$0x6210]  }
0x147: {  	v7 =	vld [tilespmem:s20+$0xE210]  }
0x148: {  	v8 =	vld [tilespmem:s20+$0x6220]  }
0x149: {  	v63 =	vld [tilespmem:s20+$0xE220]  }
0x14a: {  	v3 =	vadd.f32 v3, v2;
	v2 =	vld [tilespmem:s20+$0x6230]  }
0x14b: {  	v4 =	vadd.f32 v5, v4;
	v5 =	vld [tilespmem:s20+$0xE230]  }
0x14c: {  	v6 =	vadd.f32 v7, v6;
	[tilespmem:s26+$0x16200] =	vst v3;
	v3 =	vld [tilespmem:s20+$0x6240]  }
0x14d: {  	[tilespmem:s20+$0x16200] =	vst v4;
	v4 =	vld [tilespmem:s20+$0xE240]  }
0x14e: {  	s16 =	sadd.s32 $0x18, s16;
	s23 =	simm.s32 $0x0;
	s24 =	simm.s32 $0x400;
	v7 =	vadd.f32 v63, v8;
	[tilespmem:s20+$0x16210] =	vst v6;
	v6 =	vld [tilespmem:s20+$0x6250]  }
.LBB2_9:
0x14f: {  	s3 =	sand.u32 $0x1C00, s24;
	v8 =	vld [tilespmem:s20+$0xE250];
	s22 =	sadd.s32 $0x10, s22  }
0x150: {  	s23 =	sadd.s32 $0x8, s23;
	s19 =	sand.u32 $0x380, s22;
	s25 =	sor.u32 s3, s22;
	[tilespmem:s20+$0x16220] =	vst v7;
	v2 =	vadd.f32 v5, v2;
	v5 =	vld [tilespmem:s20+$0x6260]  }
0x151: {  	p0 =	slt.u32 s23, $0x1F8;
	s3 =	sor.u32 s19, s3;
	s19 =	sor.u32 $0x70, s25;
	v7 =	vld [tilespmem:s20+$0xE260]  }
0x152: {  	v9 =	vld [tilespmem:s19+$0x6200];
	[tilespmem:s20+$0x16230] =	vst v2;
	v2 =	vadd.f32 v4, v3  }
0x153: {  	v3 =	vld [tilespmem:s19+$0xE200]  }
0x154: {  	v4 =	vld [tilespmem:s3+$0x6200];
	[tilespmem:s20+$0x16240] =	vst v2;
	v2 =	vadd.f32 v8, v6  }
0x155: {  	v6 =	vld [tilespmem:s3+$0xE200]  }
0x156: {  	v8 =	vld [tilespmem:s3+$0x6210];
	[tilespmem:s20+$0x16250] =	vst v2;
	v2 =	vadd.f32 v7, v5  }
0x157: {  	v7 =	vld [tilespmem:s3+$0xE210]  }
0x158: {  	v10 =	vld [tilespmem:s3+$0x6220];
	v3 =	vadd.f32 v3, v9;
	[tilespmem:s20+$0x16260] =	vst v2;
	s20 =	smov.u32 s3  }
0x159: {  	v9 =	vld [tilespmem:s20+$0xE220]  }
.Ltmp5:
0x15a: {  	v4 =	vadd.f32 v6, v4;
	v2 =	vld [tilespmem:s20+$0x6230];
	[tilespmem:s19+$0x16200] =	vst v3;
	(pc) =	sbr.rel @p0 .LBB2_9-.Ltmp5, $4  }
0x15b: {  	v5 =	vld [tilespmem:s20+$0xE230]  }
0x15c: {  	[tilespmem:s20+$0x16200] =	vst v4;
	v6 =	vadd.f32 v7, v8;
	v3 =	vld [tilespmem:s20+$0x6240]  }
0x15d: {  	v4 =	vld [tilespmem:s20+$0xE240]  }
0x15e: {  	s24 =	sadd.s32 $0x400, s24;
	[tilespmem:s20+$0x16210] =	vst v6;
	v7 =	vadd.f32 v9, v10;
	v6 =	vld [tilespmem:s20+$0x6250]  }
0x15f: {  	v8 =	vld [tilespmem:s20+$0xE250]  }
0x160: {  	v9 =	vld [tilespmem:s20+$0x6260]  }
0x161: {  	v10 =	vld [tilespmem:s20+$0xE260];
	_ =	sdelay $0x1  }
0x162: {  	v2 =	vadd.f32 v5, v2  }
0x163: {  	[tilespmem:s20+$0x16220] =	vst v7;
	v3 =	vadd.f32 v4, v3  }
.Ltmp6:
0x164: {  	s3 =	sshll.u32 s16, $0xA;
	[tilespmem:s20+$0x16230] =	vst v2;
	v2 =	vadd.f32 v8, v6;
	(pc) =	sbr.rel @p1 .LBB2_12-.Ltmp6, $4  }
0x165: {  	s3 =	sadd.s32 s6, s3;
	[tilespmem:s20+$0x16240] =	vst v3;
	v3 =	vadd.f32 v10, v9  }
0x166: {  	s3 =	sshrl.u32 s3, $0x3;
	[tilespmem:s20+$0x16250] =	vst v2  }
0x167: {  	s3 =	sadd.s32 s4, s3;
	[tilespmem:s20+$0x16260] =	vst v3  }
0x168: {  	[hbm4b:s3+s5] =	stream.linear.scatter [tilespmem:s15], [sflag:$0xC], $0x2000, $0x38;
	[tilespmem:$0x18200] =	vst v63  }
0x169: {  	v2 =	vld.msk [tilespmem:s11+$0x38], $0xff;
	_ =	sdelay $0x4  }
0x16a: {  	v3 =	vshll.u32 v2, $0x3  }
0x16b: {  	v2 =	vand.u32 $0x7, v2;
	v3 =	vand.u32 $0xFFFFFFC0, v3  }
0x16c: {  	v2 =	vor.u32 v2, v3  }
0x16d: {  	v2 =	vperm.xlane v2, v0;
	_ =	sdelay $0x1  }
0x16e: {  	v2 =	vadd.s32 v1, v2;
	_ =	sdelay $0x3  }
0x16f: {  	s3 =	simm.s32 $0xE200;
	s25 =	sadd.s32 $0x38, s11  }
0x170: {  	[tilespmem:s3], [sflag:$0x8] =	stream.indirect_vreg.gather [hbm4b:s2+s5], $0x80, v2, vm0, $0xb8;
	[tilespmem:$0x18200] =	vst v63  }
0x171: {  	s23 =	simm.s32 $0xEA00;
	s3 =	sadd.s32 s7, s25  }
0x172: {  	[tilespmem:s23], [sflag:$0x8] =	stream.indirect_vreg.gather [hbm4b:s10+s5], $0x80, v2, vm0, $0xb8;
	[tilespmem:$0x18200] =	vst v63  }
0x173: {  	s24 =	simm.s32 $0xF200;
	s3 =	sshll.u32 s3, $0xA  }
0x174: {  	[tilespmem:s24], [sflag:$0x8] =	stream.indirect_vreg.gather [hbm4b:s12+s5], $0x80, v2, vm0, $0xb8;
	[tilespmem:$0x18200] =	vst v63  }
.Ltmp7:
0x175: {  	s3 =	sadd.s32 s6, s3;
	(pc) =	sbr.rel .LBB2_2-.Ltmp7, $4  }
0x176: {  	s26 =	simm.s32 $0xFA00;
	s3 =	sshrl.u32 s3, $0x3  }
0x177: {  	[tilespmem:s26], [sflag:$0x8] =	stream.indirect_vreg.gather [hbm4b:s13+s5], $0x80, v2, vm0, $0xb8;
	[tilespmem:$0x18200] =	vst v63  }
0x178: {  	s30 =	simm.s32 $0x6200;
	s17 =	sadd.s32 $0x1, s17;
	s3 =	sadd.s32 s1, s3  }
0x179: {  	[tilespmem:s30], [sflag:$0x4] =	stream.linear.gather [hbm4b:s3+s5], $0x2000, $0x38;
	[tilespmem:$0x18200] =	vst v63  }
.LBB2_13:
0x17a: {  	_ =	sfence.sel $0x180000  }
0x17b: {  	[bflag:$0x0] =	sbarrier.arrive $0xFFFF  }
0x17c: {  	_ =	strace $0x90000047  }
0x17d: {  	s0 =	stileid.u32;
	[bflag:$0x2] =	sbarrier.arrive $0xFFFF  }
0x17e: {  	p0 =	sne.s32 s0, $0x0;
	s0 =	rddreg [dreg:$0x4]  }
0x17f: {  	s0 =	sadd.s32 @!p0 $0x100000, s0  }
0x180: {  	[sflag:s0] =	ssyncadd.tile.s32 @!p0 $0x1;
	_ =	shalt  }
.Lfunc_end2:
_tile_overlayer_lowered:
.L_overlay_start_2:
0x181: {  	(tag) =	ssettag $0x2  }
0x182: {  	s0 =	rddreg [dreg:$0x0];
	s2 =	stileid.u32  }
0x183: {  	s1 =	rddreg [dreg:$0x1];
	p0 =	sne.s32 s2, $0x0  }
0x184: {  	s3 =	rddreg [dreg:$0x2];
	[bflag:$0x3] =	sbarrier.arrive $0xFFFF;
	s2 =	simm.s32 @!p0 $0x1C0D  }
0x185: {  	[timem:s3], [sflag:s2] =	dma.local @!p0 [hbm:s0], s1  }
0x186: {  	s0 =	simm.s32 @!p0 $0xD  }
0x187: {  	_ =	swait.ge @!p0 [sflag:s0], s1  }
0x188: {  	s1 =	ssub.s32 @!p0 $0x0, s1;
	[sflag:s0] =	ssyncset.done @!p0 $0x0  }
0x189: {  	[sflag:s0] =	ssyncadd.s32 @!p0 s1  }
0x18a: {  	[bflag:$0x3] =	sbarrier.arrive $0xFFFF  }
0x18b: {  	_ =	shalt  }

</sc_bundles>
